<compile_context>
chip_gen: v7x
topology: tpu7x:2x2x1
jax: 0.10.2.dev20260603
libtpu: 0.0.44.dev20260713+nightly
codegen_flags: <defaults>
</compile_context>

<pallas_src>
import functools

import jax
import jax.numpy as jnp
from jax import lax
from jax.experimental import pallas as pl
from jax.experimental.pallas import tpu as pltpu
from jax.experimental.pallas import tpu_sc as plsc

N = 10000
E = 320000
D = 128
ED = 16

NC = 2
NS = 16
NW = NC * NS
EPW = E // NW
CH = 80
NB = 4
NCH = EPW // CH
NOUT = NCH // NB
NREM = NCH - NOUT * NB
NP = 10240
RPS = NP // NS

_MESH = dict(core_axis_name="c", subcore_axis_name="s")


def _scratch():
    return (
        [pltpu.VMEM_SHARED((NP, D), jnp.float32)]
        + [pltpu.VMEM((CH,), jnp.int32) for _ in range(2 * NB)]
        + [pltpu.VMEM((CH, D), jnp.float32) for _ in range(NB)]
        + [pltpu.SemaphoreType.DMA for _ in range(3)]
    )


def _sc_agg(gather: bool):

    @functools.partial(
        pl.kernel,
        out_type=jax.ShapeDtypeStruct((NC, NP, D), jnp.float32),
        mesh=plsc.VectorSubcoreMesh(**_MESH),
        scratch_types=_scratch(),
    )
    def agg(x_hbm, row_hbm, col_hbm, z128_hbm, p_out, acc_p, *bufs):
        row_v = bufs[0:NB]
        col_v = bufs[NB:2 * NB]
        msg_v = bufs[2 * NB:3 * NB]
        sem_i, sem_g, sem_s = bufs[3 * NB:]
        c = lax.axis_index("c")
        s = lax.axis_index("s")
        wid = s * NC + c
        r0 = s * RPS

        pltpu.sync_copy(z128_hbm.at[pl.ds(r0, RPS)], acc_p.at[pl.ds(r0, RPS)])
        plsc.subcore_barrier()

        e_base = wid * EPW

        def do_batch(e00, nb):
            ic = []
            gc = [None] * nb
            for b in range(nb):
                e0 = e00 + b * CH
                ic.append([pltpu.async_copy(col_hbm.at[pl.ds(e0, CH)],
                                            col_v[b], sem_i)])
                if gather:
                    ic[b].append(pltpu.async_copy(row_hbm.at[pl.ds(e0, CH)],
                                                  row_v[b], sem_i))
                else:
                    gc[b] = pltpu.async_copy(x_hbm.at[pl.ds(e0, CH)],
                                             msg_v[b], sem_g)
            if gather:
                for b in range(nb):
                    for d in ic[b]:
                        d.wait()
                    gc[b] = pltpu.async_copy(x_hbm.at[row_v[b]], msg_v[b],
                                             sem_g)
            sc = []
            for b in range(nb):
                if not gather:
                    for d in ic[b]:
                        d.wait()
                gc[b].wait()
                sc.append(pltpu.async_copy(msg_v[b], acc_p.at[col_v[b]],
                                           sem_s, add=True))
            for d in sc:
                d.wait()

        def body(i, carry):
            do_batch(e_base + i * (NB * CH), NB)
            return carry

        lax.fori_loop(0, NOUT, body, 0)
        do_batch(e_base + NOUT * NB * CH, NREM)
        plsc.subcore_barrier()

        pltpu.sync_copy(acc_p.at[pl.ds(r0, RPS)], p_out.at[c, pl.ds(r0, RPS)])

    return agg


_BN = 1000


def _tc_dense_body(p_ref, pay_ref, h_ref, we_ref, wl_ref, wr_ref,
                   b_ref, o_ref, *, relu):
    p = p_ref[0] + p_ref[1]
    pay = pay_ref[0] + pay_ref[1]
    ea = pay[:, :ED]
    deg = pay[:, ED:ED + 1]
    inv = 1.0 / jnp.maximum(deg, 1.0)
    dn = (((1,), (1,)), ((), ()))
    e_term = lax.dot_general(ea, we_ref[...], dn,
                             preferred_element_type=jnp.float32)
    su = (p + e_term) * inv
    out = (lax.dot_general(su, wl_ref[...], dn,
                           preferred_element_type=jnp.float32)
           + lax.dot_general(h_ref[...], wr_ref[...], dn,
                             preferred_element_type=jnp.float32)
           + b_ref[...])
    if relu:
        out = jnp.maximum(out, 0.0)
    o_ref[...] = out


def _tc_dense(relu):
    return pl.pallas_call(
        functools.partial(_tc_dense_body, relu=relu),
        grid=(N // _BN,),
        in_specs=[
            pl.BlockSpec((NC, _BN, D), lambda i: (0, i, 0)),
            pl.BlockSpec((NC, _BN, D), lambda i: (0, i, 0)),
            pl.BlockSpec((_BN, D), lambda i: (i, 0)),
            pl.BlockSpec((D, ED), lambda i: (0, 0)),
            pl.BlockSpec((D, D), lambda i: (0, 0)),
            pl.BlockSpec((D, D), lambda i: (0, 0)),
            pl.BlockSpec((1, D), lambda i: (0, 0)),
        ],
        out_specs=pl.BlockSpec((_BN, D), lambda i: (i, 0)),
        out_shape=jax.ShapeDtypeStruct((N, D), jnp.float32),
    )


def kernel(x, edge_index, edge_attr, W_edge0, W_l0, b_l0, W_r0,
           W_edge1, W_l1, b_l1, W_r1):
    row1 = edge_index[0]
    col1 = edge_index[1]
    pay = jnp.concatenate(
        [edge_attr, jnp.ones((E, 1), jnp.float32),
         jnp.zeros((E, D - ED - 1), jnp.float32)], axis=1)
    z128 = jnp.zeros((NP, D), jnp.float32)

    pp = _sc_agg(False)(pay, col1, col1, z128)
    p0 = _sc_agg(True)(x, row1, col1, z128)
    h1 = _tc_dense(True)(p0, pp, x, W_edge0, W_l0, W_r0, b_l0.reshape(1, D))
    p1 = _sc_agg(True)(h1, row1, col1, z128)
    out = _tc_dense(False)(p1, pp, h1, W_edge1, W_l1, W_r1,
                           b_l1.reshape(1, D))
    return out

# --- scband reference (transcript-rebuilt; emitter-appended) ---
"""Pipeline reference for scband-graph-sage-66838281060946 (READ-ONLY COPY).

The authoritative reference and input builder live on the scoring server;
editing this copy changes nothing except your own understanding.
"""

import jax, jax.numpy as jnp
import numpy as np

N = 10000
E = 320000
D = 128
ED = 16


def setup_inputs(seed: int = 0) -> dict:
    key = jax.random.key(seed)
    ks = jax.random.split(key, 12)
    s = 0.05
    inp = {
        "x": jax.random.normal(ks[0], (N, D), dtype=jnp.float32),
        "edge_index": jax.random.randint(ks[1], (2, E), 0, N, dtype=jnp.int32),
        "edge_attr": jax.random.normal(ks[2], (E, ED), dtype=jnp.float32),
        # layer 0 params (SAGEConv 128 -> 128, edge_dim=16)
        "W_edge0": jax.random.normal(ks[3], (D, ED), dtype=jnp.float32) * s,
        "W_l0": jax.random.normal(ks[4], (D, D), dtype=jnp.float32) * s,
        "b_l0": jnp.zeros((D,), dtype=jnp.float32),
        "W_r0": jax.random.normal(ks[5], (D, D), dtype=jnp.float32) * s,
        # layer 1 params (SAGEConv 128 -> 128, edge_dim=16)
        "W_edge1": jax.random.normal(ks[6], (D, ED), dtype=jnp.float32) * s,
        "W_l1": jax.random.normal(ks[7], (D, D), dtype=jnp.float32) * s,
        "b_l1": jnp.zeros((D,), dtype=jnp.float32),
        "W_r1": jax.random.normal(ks[8], (D, D), dtype=jnp.float32) * s,
    }
    return inp


def _sage_conv(x, edge_index, edge_attr, W_edge, W_l, b_l, W_r):
    # PyG SAGEConv with aggr='mean', root_weight=True, plus custom edge term
    row = edge_index[0]
    col = edge_index[1]
    n = x.shape[0]
    msg = jnp.take(x, row, axis=0)                      # x_j gather
    cnt = jax.ops.segment_sum(jnp.ones((msg.shape[0],), jnp.float32), col, num_segments=n)
    denom = jnp.maximum(cnt, 1.0)[:, None]
    agg = jax.ops.segment_sum(msg, col, num_segments=n) / denom   # scatter-mean of neighbors
    e = edge_attr @ W_edge.T                            # lin_edge (no bias)
    e_agg = jax.ops.segment_sum(e, col, num_segments=n) / denom   # scatter-mean of edge features
    out = agg + e_agg
    out = out @ W_l.T + b_l + x @ W_r.T                 # lin_l(out) + lin_r(x_r)
    return out


def reference(x, edge_index, edge_attr, W_edge0, W_l0, b_l0, W_r0, W_edge1, W_l1, b_l1, W_r1):
    h = _sage_conv(x, edge_index, edge_attr, W_edge0, W_l0, b_l0, W_r0)
    h = jax.nn.relu(h)                                  # activation between layers
    # dropout p=0.0 / eval mode -> no-op
    h = _sage_conv(h, edge_index, edge_attr, W_edge1, W_l1, b_l1, W_r1)
    return h

if __name__ == "__main__":
    import jax
    _d = setup_inputs()
    print(jax.jit(kernel)(*tuple(_d.values())))

</pallas_src>

<mosaic_0001>
#map = affine_map<(d0, d1) -> (0, 0)>
#map1 = affine_map<(d0, d1) -> (0)>
#map2 = affine_map<(d0, d1) -> (0, 0, 0)>
module attributes {stable_mosaic.version = 14 : i64} {
  func.func @agg(%arg0: i32, %arg1: i32, %arg2: memref<10000x128xf32, #tpu.memory_space<hbm>>, %arg3: memref<320000xi32, #tpu.memory_space<hbm>>, %arg4: memref<320000xi32, #tpu.memory_space<hbm>>, %arg5: memref<10240x128xf32, #tpu.memory_space<hbm>>, %arg6: memref<2x10240x128xf32, #tpu.memory_space<hbm>>, %arg7: memref<10240x128xf32, #tpu.memory_space<vmem_shared>>, %arg8: memref<80xi32, #tpu.memory_space<vmem>>, %arg9: memref<80xi32, #tpu.memory_space<vmem>>, %arg10: memref<80xi32, #tpu.memory_space<vmem>>, %arg11: memref<80xi32, #tpu.memory_space<vmem>>, %arg12: memref<80xi32, #tpu.memory_space<vmem>>, %arg13: memref<80xi32, #tpu.memory_space<vmem>>, %arg14: memref<80xi32, #tpu.memory_space<vmem>>, %arg15: memref<80xi32, #tpu.memory_space<vmem>>, %arg16: memref<80x128xf32, #tpu.memory_space<vmem>>, %arg17: memref<80x128xf32, #tpu.memory_space<vmem>>, %arg18: memref<80x128xf32, #tpu.memory_space<vmem>>, %arg19: memref<80x128xf32, #tpu.memory_space<vmem>>, %arg20: memref<!tpu.dma_semaphore, #tpu.memory_space<semaphore_mem>>, %arg21: memref<!tpu.dma_semaphore, #tpu.memory_space<semaphore_mem>>, %arg22: memref<!tpu.dma_semaphore, #tpu.memory_space<semaphore_mem>>) attributes {dimension_semantics = [#tpu.dimension_semantics<core_parallel>, #tpu.dimension_semantics<subcore_parallel>], iteration_bounds = array<i64: 2, 16>, scalar_prefetch = 0 : i64, scratch_operands = 16 : i64, tpu.core_type = #tpu.core_type<sc_vector_subcore>, window_params = [{transform_indices = #map}, {transform_indices = #map1}, {transform_indices = #map1}, {transform_indices = #map}, {transform_indices = #map2}]} {
    %mul3A = arith.constant 2 : i32
    %mul3A_0 = arith.muli %arg1, %mul3A : i32
    %add3A = arith.addi %mul3A_0, %arg0 : i32
    %mul3A_1 = arith.constant 640 : i32
    %mul3A_2 = arith.muli %arg1, %mul3A_1 : i32
    "tpu.region"() ({
      %run_scoped3A = tpu.sem_alloc : memref<!tpu.dma_semaphore, #tpu.memory_space<semaphore_mem>>
      %dma_start3A_33 = arith.constant 0 : i32
      %dma_start3A_34 = tpu.memref_slice %arg7[%mul3A_2, %dma_start3A_33] : memref<10240x128xf32, #tpu.memory_space<vmem_shared>> -> memref<640x128xf32, #tpu.memory_space<vmem_shared>>
      %dma_start3A_35 = arith.constant 0 : i32
      %dma_start3A_36 = tpu.memref_slice %arg5[%mul3A_2, %dma_start3A_35] : memref<10240x128xf32, #tpu.memory_space<hbm>> -> memref<640x128xf32, #tpu.memory_space<hbm>>
      tpu.enqueue_dma source(%dma_start3A_36 : memref<640x128xf32, #tpu.memory_space<hbm>>) target(%dma_start3A_34 : memref<640x128xf32, #tpu.memory_space<vmem_shared>>) target_semaphore(%run_scoped3A : memref<!tpu.dma_semaphore, #tpu.memory_space<semaphore_mem>>)
      %dma_wait3A_37 = arith.constant 0 : i32
      %dma_wait3A_38 = tpu.memref_slice %arg7[%mul3A_2, %dma_wait3A_37] : memref<10240x128xf32, #tpu.memory_space<vmem_shared>> -> memref<640x128xf32, #tpu.memory_space<vmem_shared>>
      %dma_wait3A_39 = arith.constant 0 : i32
      %dma_wait3A_40 = tpu.memref_slice %arg5[%mul3A_2, %dma_wait3A_39] : memref<10240x128xf32, #tpu.memory_space<hbm>> -> memref<640x128xf32, #tpu.memory_space<hbm>>
      tpu.wait_dma2 semaphore(%run_scoped3A : memref<!tpu.dma_semaphore, #tpu.memory_space<semaphore_mem>>) src(%dma_wait3A_40 : memref<640x128xf32, #tpu.memory_space<hbm>>) dst(%dma_wait3A_38 : memref<640x128xf32, #tpu.memory_space<vmem_shared>>)
      tpu.yield
    }) : () -> ()
    %barrier3A = arith.constant 0 : index
    tpu.barrier barrier_id(%barrier3A)
    %mul3A_3 = arith.constant 10000 : i32
    %mul3A_4 = arith.muli %add3A, %mul3A_3 : i32
    %scan3A = arith.constant 0 : i32
    %scan3A_5 = arith.constant 0 : i32
    %scan3A_6 = arith.constant 31 : i32
    %scan3A_7 = arith.addi %scan3A_5, %scan3A_6 : i32
    %scan3A_8 = arith.constant 1 : i32
    scf.for %scan3A_33 = %scan3A_5 to %scan3A_7 step %scan3A_8  : i32 {
      %mul3A_34 = arith.constant 320 : i32
      %mul3A_35 = arith.muli %scan3A_33, %mul3A_34 : i32
      %add3A_36 = arith.addi %mul3A_4, %mul3A_35 : i32
      %add3A_37 = arith.constant 0 : i32
      %add3A_38 = arith.addi %add3A_36, %add3A_37 : i32
      %dma_start3A_39 = tpu.memref_slice %arg4[%add3A_38] : memref<320000xi32, #tpu.memory_space<hbm>> -> memref<80xi32, #tpu.memory_space<hbm>>
      %dma_start3A_40 = tpu.memref_slice %arg4[%add3A_38] : memref<320000xi32, #tpu.memory_space<hbm>> -> memref<80xi32, #tpu.memory_space<hbm>>
      tpu.enqueue_dma source(%dma_start3A_40 : memref<80xi32, #tpu.memory_space<hbm>>) target(%arg12 : memref<80xi32, #tpu.memory_space<vmem>>) target_semaphore(%arg20 : memref<!tpu.dma_semaphore, #tpu.memory_space<semaphore_mem>>)
      %dma_start3A_41 = tpu.memref_slice %arg3[%add3A_38] : memref<320000xi32, #tpu.memory_space<hbm>> -> memref<80xi32, #tpu.memory_space<hbm>>
      %dma_start3A_42 = tpu.memref_slice %arg3[%add3A_38] : memref<320000xi32, #tpu.memory_space<hbm>> -> memref<80xi32, #tpu.memory_space<hbm>>
      tpu.enqueue_dma source(%dma_start3A_42 : memref<80xi32, #tpu.memory_space<hbm>>) target(%arg8 : memref<80xi32, #tpu.memory_space<vmem>>) target_semaphore(%arg20 : memref<!tpu.dma_semaphore, #tpu.memory_space<semaphore_mem>>)
      %add3A_43 = arith.constant 80 : i32
      %add3A_44 = arith.addi %add3A_36, %add3A_43 : i32
      %dma_start3A_45 = tpu.memref_slice %arg4[%add3A_44] : memref<320000xi32, #tpu.memory_space<hbm>> -> memref<80xi32, #tpu.memory_space<hbm>>
      %dma_start3A_46 = tpu.memref_slice %arg4[%add3A_44] : memref<320000xi32, #tpu.memory_space<hbm>> -> memref<80xi32, #tpu.memory_space<hbm>>
      tpu.enqueue_dma source(%dma_start3A_46 : memref<80xi32, #tpu.memory_space<hbm>>) target(%arg13 : memref<80xi32, #tpu.memory_space<vmem>>) target_semaphore(%arg20 : memref<!tpu.dma_semaphore, #tpu.memory_space<semaphore_mem>>)
      %dma_start3A_47 = tpu.memref_slice %arg3[%add3A_44] : memref<320000xi32, #tpu.memory_space<hbm>> -> memref<80xi32, #tpu.memory_space<hbm>>
      %dma_start3A_48 = tpu.memref_slice %arg3[%add3A_44] : memref<320000xi32, #tpu.memory_space<hbm>> -> memref<80xi32, #tpu.memory_space<hbm>>
      tpu.enqueue_dma source(%dma_start3A_48 : memref<80xi32, #tpu.memory_space<hbm>>) target(%arg9 : memref<80xi32, #tpu.memory_space<vmem>>) target_semaphore(%arg20 : memref<!tpu.dma_semaphore, #tpu.memory_space<semaphore_mem>>)
      %add3A_49 = arith.constant 160 : i32
      %add3A_50 = arith.addi %add3A_36, %add3A_49 : i32
      %dma_start3A_51 = tpu.memref_slice %arg4[%add3A_50] : memref<320000xi32, #tpu.memory_space<hbm>> -> memref<80xi32, #tpu.memory_space<hbm>>
      %dma_start3A_52 = tpu.memref_slice %arg4[%add3A_50] : memref<320000xi32, #tpu.memory_space<hbm>> -> memref<80xi32, #tpu.memory_space<hbm>>
      tpu.enqueue_dma source(%dma_start3A_52 : memref<80xi32, #tpu.memory_space<hbm>>) target(%arg14 : memref<80xi32, #tpu.memory_space<vmem>>) target_semaphore(%arg20 : memref<!tpu.dma_semaphore, #tpu.memory_space<semaphore_mem>>)
      %dma_start3A_53 = tpu.memref_slice %arg3[%add3A_50] : memref<320000xi32, #tpu.memory_space<hbm>> -> memref<80xi32, #tpu.memory_space<hbm>>
      %dma_start3A_54 = tpu.memref_slice %arg3[%add3A_50] : memref<320000xi32, #tpu.memory_space<hbm>> -> memref<80xi32, #tpu.memory_space<hbm>>
      tpu.enqueue_dma source(%dma_start3A_54 : memref<80xi32, #tpu.memory_space<hbm>>) target(%arg10 : memref<80xi32, #tpu.memory_space<vmem>>) target_semaphore(%arg20 : memref<!tpu.dma_semaphore, #tpu.memory_space<semaphore_mem>>)
      %add3A_55 = arith.constant 240 : i32
      %add3A_56 = arith.addi %add3A_36, %add3A_55 : i32
      %dma_start3A_57 = tpu.memref_slice %arg4[%add3A_56] : memref<320000xi32, #tpu.memory_space<hbm>> -> memref<80xi32, #tpu.memory_space<hbm>>
      %dma_start3A_58 = tpu.memref_slice %arg4[%add3A_56] : memref<320000xi32, #tpu.memory_space<hbm>> -> memref<80xi32, #tpu.memory_space<hbm>>
      tpu.enqueue_dma source(%dma_start3A_58 : memref<80xi32, #tpu.memory_space<hbm>>) target(%arg15 : memref<80xi32, #tpu.memory_space<vmem>>) target_semaphore(%arg20 : memref<!tpu.dma_semaphore, #tpu.memory_space<semaphore_mem>>)
      %dma_start3A_59 = tpu.memref_slice %arg3[%add3A_56] : memref<320000xi32, #tpu.memory_space<hbm>> -> memref<80xi32, #tpu.memory_space<hbm>>
      %dma_start3A_60 = tpu.memref_slice %arg3[%add3A_56] : memref<320000xi32, #tpu.memory_space<hbm>> -> memref<80xi32, #tpu.memory_space<hbm>>
      tpu.enqueue_dma source(%dma_start3A_60 : memref<80xi32, #tpu.memory_space<hbm>>) target(%arg11 : memref<80xi32, #tpu.memory_space<vmem>>) target_semaphore(%arg20 : memref<!tpu.dma_semaphore, #tpu.memory_space<semaphore_mem>>)
      %dma_wait3A_61 = tpu.memref_slice %arg4[%add3A_38] : memref<320000xi32, #tpu.memory_space<hbm>> -> memref<80xi32, #tpu.memory_space<hbm>>
      %dma_wait3A_62 = tpu.memref_slice %arg4[%add3A_38] : memref<320000xi32, #tpu.memory_space<hbm>> -> memref<80xi32, #tpu.memory_space<hbm>>
      tpu.wait_dma2 semaphore(%arg20 : memref<!tpu.dma_semaphore, #tpu.memory_space<semaphore_mem>>) src(%dma_wait3A_62 : memref<80xi32, #tpu.memory_space<hbm>>) dst(%arg12 : memref<80xi32, #tpu.memory_space<vmem>>)
      %dma_wait3A_63 = tpu.memref_slice %arg3[%add3A_38] : memref<320000xi32, #tpu.memory_space<hbm>> -> memref<80xi32, #tpu.memory_space<hbm>>
      %dma_wait3A_64 = tpu.memref_slice %arg3[%add3A_38] : memref<320000xi32, #tpu.memory_space<hbm>> -> memref<80xi32, #tpu.memory_space<hbm>>
      tpu.wait_dma2 semaphore(%arg20 : memref<!tpu.dma_semaphore, #tpu.memory_space<semaphore_mem>>) src(%dma_wait3A_64 : memref<80xi32, #tpu.memory_space<hbm>>) dst(%arg8 : memref<80xi32, #tpu.memory_space<vmem>>)
      %dma_start3A_65 = arith.constant 0 : i32
      %dma_start3A_66 = arith.constant 0 : i32
      %dma_start3A_67 = tpu.memref_slice %arg2[%dma_start3A_65, %dma_start3A_66] : memref<10000x128xf32, #tpu.memory_space<hbm>> -> memref<10000x128xf32, #tpu.memory_space<hbm>>
      tpu.enqueue_indirect_dma source(%dma_start3A_67 : memref<10000x128xf32, #tpu.memory_space<hbm>>) target(%arg16 : memref<80x128xf32, #tpu.memory_space<vmem>>) offsets(%arg8 : memref<80xi32, #tpu.memory_space<vmem>>) semaphore(%arg21 : memref<!tpu.dma_semaphore, #tpu.memory_space<semaphore_mem>>)
      %dma_wait3A_68 = tpu.memref_slice %arg4[%add3A_44] : memref<320000xi32, #tpu.memory_space<hbm>> -> memref<80xi32, #tpu.memory_space<hbm>>
      %dma_wait3A_69 = tpu.memref_slice %arg4[%add3A_44] : memref<320000xi32, #tpu.memory_space<hbm>> -> memref<80xi32, #tpu.memory_space<hbm>>
      tpu.wait_dma2 semaphore(%arg20 : memref<!tpu.dma_semaphore, #tpu.memory_space<semaphore_mem>>) src(%dma_wait3A_69 : memref<80xi32, #tpu.memory_space<hbm>>) dst(%arg13 : memref<80xi32, #tpu.memory_space<vmem>>)
      %dma_wait3A_70 = tpu.memref_slice %arg3[%add3A_44] : memref<320000xi32, #tpu.memory_space<hbm>> -> memref<80xi32, #tpu.memory_space<hbm>>
      %dma_wait3A_71 = tpu.memref_slice %arg3[%add3A_44] : memref<320000xi32, #tpu.memory_space<hbm>> -> memref<80xi32, #tpu.memory_space<hbm>>
      tpu.wait_dma2 semaphore(%arg20 : memref<!tpu.dma_semaphore, #tpu.memory_space<semaphore_mem>>) src(%dma_wait3A_71 : memref<80xi32, #tpu.memory_space<hbm>>) dst(%arg9 : memref<80xi32, #tpu.memory_space<vmem>>)
      %dma_start3A_72 = arith.constant 0 : i32
      %dma_start3A_73 = arith.constant 0 : i32
      %dma_start3A_74 = tpu.memref_slice %arg2[%dma_start3A_72, %dma_start3A_73] : memref<10000x128xf32, #tpu.memory_space<hbm>> -> memref<10000x128xf32, #tpu.memory_space<hbm>>
      tpu.enqueue_indirect_dma source(%dma_start3A_74 : memref<10000x128xf32, #tpu.memory_space<hbm>>) target(%arg17 : memref<80x128xf32, #tpu.memory_space<vmem>>) offsets(%arg9 : memref<80xi32, #tpu.memory_space<vmem>>) semaphore(%arg21 : memref<!tpu.dma_semaphore, #tpu.memory_space<semaphore_mem>>)
      %dma_wait3A_75 = tpu.memref_slice %arg4[%add3A_50] : memref<320000xi32, #tpu.memory_space<hbm>> -> memref<80xi32, #tpu.memory_space<hbm>>
      %dma_wait3A_76 = tpu.memref_slice %arg4[%add3A_50] : memref<320000xi32, #tpu.memory_space<hbm>> -> memref<80xi32, #tpu.memory_space<hbm>>
      tpu.wait_dma2 semaphore(%arg20 : memref<!tpu.dma_semaphore, #tpu.memory_space<semaphore_mem>>) src(%dma_wait3A_76 : memref<80xi32, #tpu.memory_space<hbm>>) dst(%arg14 : memref<80xi32, #tpu.memory_space<vmem>>)
      %dma_wait3A_77 = tpu.memref_slice %arg3[%add3A_50] : memref<320000xi32, #tpu.memory_space<hbm>> -> memref<80xi32, #tpu.memory_space<hbm>>
      %dma_wait3A_78 = tpu.memref_slice %arg3[%add3A_50] : memref<320000xi32, #tpu.memory_space<hbm>> -> memref<80xi32, #tpu.memory_space<hbm>>
      tpu.wait_dma2 semaphore(%arg20 : memref<!tpu.dma_semaphore, #tpu.memory_space<semaphore_mem>>) src(%dma_wait3A_78 : memref<80xi32, #tpu.memory_space<hbm>>) dst(%arg10 : memref<80xi32, #tpu.memory_space<vmem>>)
      %dma_start3A_79 = arith.constant 0 : i32
      %dma_start3A_80 = arith.constant 0 : i32
      %dma_start3A_81 = tpu.memref_slice %arg2[%dma_start3A_79, %dma_start3A_80] : memref<10000x128xf32, #tpu.memory_space<hbm>> -> memref<10000x128xf32, #tpu.memory_space<hbm>>
      tpu.enqueue_indirect_dma source(%dma_start3A_81 : memref<10000x128xf32, #tpu.memory_space<hbm>>) target(%arg18 : memref<80x128xf32, #tpu.memory_space<vmem>>) offsets(%arg10 : memref<80xi32, #tpu.memory_space<vmem>>) semaphore(%arg21 : memref<!tpu.dma_semaphore, #tpu.memory_space<semaphore_mem>>)
      %dma_wait3A_82 = tpu.memref_slice %arg4[%add3A_56] : memref<320000xi32, #tpu.memory_space<hbm>> -> memref<80xi32, #tpu.memory_space<hbm>>
      %dma_wait3A_83 = tpu.memref_slice %arg4[%add3A_56] : memref<320000xi32, #tpu.memory_space<hbm>> -> memref<80xi32, #tpu.memory_space<hbm>>
      tpu.wait_dma2 semaphore(%arg20 : memref<!tpu.dma_semaphore, #tpu.memory_space<semaphore_mem>>) src(%dma_wait3A_83 : memref<80xi32, #tpu.memory_space<hbm>>) dst(%arg15 : memref<80xi32, #tpu.memory_space<vmem>>)
      %dma_wait3A_84 = tpu.memref_slice %arg3[%add3A_56] : memref<320000xi32, #tpu.memory_space<hbm>> -> memref<80xi32, #tpu.memory_space<hbm>>
      %dma_wait3A_85 = tpu.memref_slice %arg3[%add3A_56] : memref<320000xi32, #tpu.memory_space<hbm>> -> memref<80xi32, #tpu.memory_space<hbm>>
      tpu.wait_dma2 semaphore(%arg20 : memref<!tpu.dma_semaphore, #tpu.memory_space<semaphore_mem>>) src(%dma_wait3A_85 : memref<80xi32, #tpu.memory_space<hbm>>) dst(%arg11 : memref<80xi32, #tpu.memory_space<vmem>>)
      %dma_start3A_86 = arith.constant 0 : i32
      %dma_start3A_87 = arith.constant 0 : i32
      %dma_start3A_88 = tpu.memref_slice %arg2[%dma_start3A_86, %dma_start3A_87] : memref<10000x128xf32, #tpu.memory_space<hbm>> -> memref<10000x128xf32, #tpu.memory_space<hbm>>
      tpu.enqueue_indirect_dma source(%dma_start3A_88 : memref<10000x128xf32, #tpu.memory_space<hbm>>) target(%arg19 : memref<80x128xf32, #tpu.memory_space<vmem>>) offsets(%arg11 : memref<80xi32, #tpu.memory_space<vmem>>) semaphore(%arg21 : memref<!tpu.dma_semaphore, #tpu.memory_space<semaphore_mem>>)
      %dma_wait3A_89 = arith.constant 0 : i32
      %dma_wait3A_90 = arith.constant 0 : i32
      %dma_wait3A_91 = tpu.memref_slice %arg2[%dma_wait3A_89, %dma_wait3A_90] : memref<10000x128xf32, #tpu.memory_space<hbm>> -> memref<10000x128xf32, #tpu.memory_space<hbm>>
      tpu.wait_indirect_dma semaphore(%arg21 : memref<!tpu.dma_semaphore, #tpu.memory_space<semaphore_mem>>) src(%dma_wait3A_91 : memref<10000x128xf32, #tpu.memory_space<hbm>>) dst(%arg16 : memref<80x128xf32, #tpu.memory_space<vmem>>)
      %dma_start3A_92 = arith.constant 0 : i32
      %dma_start3A_93 = arith.constant 0 : i32
      %dma_start3A_94 = tpu.memref_slice %arg7[%dma_start3A_92, %dma_start3A_93] : memref<10240x128xf32, #tpu.memory_space<vmem_shared>> -> memref<10240x128xf32, #tpu.memory_space<vmem_shared>>
      tpu.enqueue_indirect_dma source(%arg16 : memref<80x128xf32, #tpu.memory_space<vmem>>) target(%dma_start3A_94 : memref<10240x128xf32, #tpu.memory_space<vmem_shared>>) offsets(%arg12 : memref<80xi32, #tpu.memory_space<vmem>>) semaphore(%arg22 : memref<!tpu.dma_semaphore, #tpu.memory_space<semaphore_mem>>) {add = true}
      %dma_wait3A_95 = arith.constant 0 : i32
      %dma_wait3A_96 = arith.constant 0 : i32
      %dma_wait3A_97 = tpu.memref_slice %arg2[%dma_wait3A_95, %dma_wait3A_96] : memref<10000x128xf32, #tpu.memory_space<hbm>> -> memref<10000x128xf32, #tpu.memory_space<hbm>>
      tpu.wait_indirect_dma semaphore(%arg21 : memref<!tpu.dma_semaphore, #tpu.memory_space<semaphore_mem>>) src(%dma_wait3A_97 : memref<10000x128xf32, #tpu.memory_space<hbm>>) dst(%arg17 : memref<80x128xf32, #tpu.memory_space<vmem>>)
      %dma_start3A_98 = arith.constant 0 : i32
      %dma_start3A_99 = arith.constant 0 : i32
      %dma_start3A_100 = tpu.memref_slice %arg7[%dma_start3A_98, %dma_start3A_99] : memref<10240x128xf32, #tpu.memory_space<vmem_shared>> -> memref<10240x128xf32, #tpu.memory_space<vmem_shared>>
      tpu.enqueue_indirect_dma source(%arg17 : memref<80x128xf32, #tpu.memory_space<vmem>>) target(%dma_start3A_100 : memref<10240x128xf32, #tpu.memory_space<vmem_shared>>) offsets(%arg13 : memref<80xi32, #tpu.memory_space<vmem>>) semaphore(%arg22 : memref<!tpu.dma_semaphore, #tpu.memory_space<semaphore_mem>>) {add = true}
      %dma_wait3A_101 = arith.constant 0 : i32
      %dma_wait3A_102 = arith.constant 0 : i32
      %dma_wait3A_103 = tpu.memref_slice %arg2[%dma_wait3A_101, %dma_wait3A_102] : memref<10000x128xf32, #tpu.memory_space<hbm>> -> memref<10000x128xf32, #tpu.memory_space<hbm>>
      tpu.wait_indirect_dma semaphore(%arg21 : memref<!tpu.dma_semaphore, #tpu.memory_space<semaphore_mem>>) src(%dma_wait3A_103 : memref<10000x128xf32, #tpu.memory_space<hbm>>) dst(%arg18 : memref<80x128xf32, #tpu.memory_space<vmem>>)
      %dma_start3A_104 = arith.constant 0 : i32
      %dma_start3A_105 = arith.constant 0 : i32
      %dma_start3A_106 = tpu.memref_slice %arg7[%dma_start3A_104, %dma_start3A_105] : memref<10240x128xf32, #tpu.memory_space<vmem_shared>> -> memref<10240x128xf32, #tpu.memory_space<vmem_shared>>
      tpu.enqueue_indirect_dma source(%arg18 : memref<80x128xf32, #tpu.memory_space<vmem>>) target(%dma_start3A_106 : memref<10240x128xf32, #tpu.memory_space<vmem_shared>>) offsets(%arg14 : memref<80xi32, #tpu.memory_space<vmem>>) semaphore(%arg22 : memref<!tpu.dma_semaphore, #tpu.memory_space<semaphore_mem>>) {add = true}
      %dma_wait3A_107 = arith.constant 0 : i32
      %dma_wait3A_108 = arith.constant 0 : i32
      %dma_wait3A_109 = tpu.memref_slice %arg2[%dma_wait3A_107, %dma_wait3A_108] : memref<10000x128xf32, #tpu.memory_space<hbm>> -> memref<10000x128xf32, #tpu.memory_space<hbm>>
      tpu.wait_indirect_dma semaphore(%arg21 : memref<!tpu.dma_semaphore, #tpu.memory_space<semaphore_mem>>) src(%dma_wait3A_109 : memref<10000x128xf32, #tpu.memory_space<hbm>>) dst(%arg19 : memref<80x128xf32, #tpu.memory_space<vmem>>)
      %dma_start3A_110 = arith.constant 0 : i32
      %dma_start3A_111 = arith.constant 0 : i32
      %dma_start3A_112 = tpu.memref_slice %arg7[%dma_start3A_110, %dma_start3A_111] : memref<10240x128xf32, #tpu.memory_space<vmem_shared>> -> memref<10240x128xf32, #tpu.memory_space<vmem_shared>>
      tpu.enqueue_indirect_dma source(%arg19 : memref<80x128xf32, #tpu.memory_space<vmem>>) target(%dma_start3A_112 : memref<10240x128xf32, #tpu.memory_space<vmem_shared>>) offsets(%arg15 : memref<80xi32, #tpu.memory_space<vmem>>) semaphore(%arg22 : memref<!tpu.dma_semaphore, #tpu.memory_space<semaphore_mem>>) {add = true}
      %dma_wait3A_113 = arith.constant 0 : i32
      %dma_wait3A_114 = arith.constant 0 : i32
      %dma_wait3A_115 = tpu.memref_slice %arg7[%dma_wait3A_113, %dma_wait3A_114] : memref<10240x128xf32, #tpu.memory_space<vmem_shared>> -> memref<10240x128xf32, #tpu.memory_space<vmem_shared>>
      tpu.wait_indirect_dma semaphore(%arg22 : memref<!tpu.dma_semaphore, #tpu.memory_space<semaphore_mem>>) src(%arg16 : memref<80x128xf32, #tpu.memory_space<vmem>>) dst(%dma_wait3A_115 : memref<10240x128xf32, #tpu.memory_space<vmem_shared>>)
      %dma_wait3A_116 = arith.constant 0 : i32
      %dma_wait3A_117 = arith.constant 0 : i32
      %dma_wait3A_118 = tpu.memref_slice %arg7[%dma_wait3A_116, %dma_wait3A_117] : memref<10240x128xf32, #tpu.memory_space<vmem_shared>> -> memref<10240x128xf32, #tpu.memory_space<vmem_shared>>
      tpu.wait_indirect_dma semaphore(%arg22 : memref<!tpu.dma_semaphore, #tpu.memory_space<semaphore_mem>>) src(%arg17 : memref<80x128xf32, #tpu.memory_space<vmem>>) dst(%dma_wait3A_118 : memref<10240x128xf32, #tpu.memory_space<vmem_shared>>)
      %dma_wait3A_119 = arith.constant 0 : i32
      %dma_wait3A_120 = arith.constant 0 : i32
      %dma_wait3A_121 = tpu.memref_slice %arg7[%dma_wait3A_119, %dma_wait3A_120] : memref<10240x128xf32, #tpu.memory_space<vmem_shared>> -> memref<10240x128xf32, #tpu.memory_space<vmem_shared>>
      tpu.wait_indirect_dma semaphore(%arg22 : memref<!tpu.dma_semaphore, #tpu.memory_space<semaphore_mem>>) src(%arg18 : memref<80x128xf32, #tpu.memory_space<vmem>>) dst(%dma_wait3A_121 : memref<10240x128xf32, #tpu.memory_space<vmem_shared>>)
      %dma_wait3A_122 = arith.constant 0 : i32
      %dma_wait3A_123 = arith.constant 0 : i32
      %dma_wait3A_124 = tpu.memref_slice %arg7[%dma_wait3A_122, %dma_wait3A_123] : memref<10240x128xf32, #tpu.memory_space<vmem_shared>> -> memref<10240x128xf32, #tpu.memory_space<vmem_shared>>
      tpu.wait_indirect_dma semaphore(%arg22 : memref<!tpu.dma_semaphore, #tpu.memory_space<semaphore_mem>>) src(%arg19 : memref<80x128xf32, #tpu.memory_space<vmem>>) dst(%dma_wait3A_124 : memref<10240x128xf32, #tpu.memory_space<vmem_shared>>)
    }
    %scan3A_9 = arith.constant 31 : i32
    %add3A_10 = arith.constant 9920 : i32
    %add3A_11 = arith.addi %mul3A_4, %add3A_10 : i32
    %add3A_12 = arith.constant 0 : i32
    %add3A_13 = arith.addi %add3A_11, %add3A_12 : i32
    %dma_start3A = tpu.memref_slice %arg4[%add3A_13] : memref<320000xi32, #tpu.memory_space<hbm>> -> memref<80xi32, #tpu.memory_space<hbm>>
    %dma_start3A_14 = tpu.memref_slice %arg4[%add3A_13] : memref<320000xi32, #tpu.memory_space<hbm>> -> memref<80xi32, #tpu.memory_space<hbm>>
    tpu.enqueue_dma source(%dma_start3A_14 : memref<80xi32, #tpu.memory_space<hbm>>) target(%arg12 : memref<80xi32, #tpu.memory_space<vmem>>) target_semaphore(%arg20 : memref<!tpu.dma_semaphore, #tpu.memory_space<semaphore_mem>>)
    %dma_start3A_15 = tpu.memref_slice %arg3[%add3A_13] : memref<320000xi32, #tpu.memory_space<hbm>> -> memref<80xi32, #tpu.memory_space<hbm>>
    %dma_start3A_16 = tpu.memref_slice %arg3[%add3A_13] : memref<320000xi32, #tpu.memory_space<hbm>> -> memref<80xi32, #tpu.memory_space<hbm>>
    tpu.enqueue_dma source(%dma_start3A_16 : memref<80xi32, #tpu.memory_space<hbm>>) target(%arg8 : memref<80xi32, #tpu.memory_space<vmem>>) target_semaphore(%arg20 : memref<!tpu.dma_semaphore, #tpu.memory_space<semaphore_mem>>)
    %dma_wait3A = tpu.memref_slice %arg4[%add3A_13] : memref<320000xi32, #tpu.memory_space<hbm>> -> memref<80xi32, #tpu.memory_space<hbm>>
    %dma_wait3A_17 = tpu.memref_slice %arg4[%add3A_13] : memref<320000xi32, #tpu.memory_space<hbm>> -> memref<80xi32, #tpu.memory_space<hbm>>
    tpu.wait_dma2 semaphore(%arg20 : memref<!tpu.dma_semaphore, #tpu.memory_space<semaphore_mem>>) src(%dma_wait3A_17 : memref<80xi32, #tpu.memory_space<hbm>>) dst(%arg12 : memref<80xi32, #tpu.memory_space<vmem>>)
    %dma_wait3A_18 = tpu.memref_slice %arg3[%add3A_13] : memref<320000xi32, #tpu.memory_space<hbm>> -> memref<80xi32, #tpu.memory_space<hbm>>
    %dma_wait3A_19 = tpu.memref_slice %arg3[%add3A_13] : memref<320000xi32, #tpu.memory_space<hbm>> -> memref<80xi32, #tpu.memory_space<hbm>>
    tpu.wait_dma2 semaphore(%arg20 : memref<!tpu.dma_semaphore, #tpu.memory_space<semaphore_mem>>) src(%dma_wait3A_19 : memref<80xi32, #tpu.memory_space<hbm>>) dst(%arg8 : memref<80xi32, #tpu.memory_space<vmem>>)
    %dma_start3A_20 = arith.constant 0 : i32
    %dma_start3A_21 = arith.constant 0 : i32
    %dma_start3A_22 = tpu.memref_slice %arg2[%dma_start3A_20, %dma_start3A_21] : memref<10000x128xf32, #tpu.memory_space<hbm>> -> memref<10000x128xf32, #tpu.memory_space<hbm>>
    tpu.enqueue_indirect_dma source(%dma_start3A_22 : memref<10000x128xf32, #tpu.memory_space<hbm>>) target(%arg16 : memref<80x128xf32, #tpu.memory_space<vmem>>) offsets(%arg8 : memref<80xi32, #tpu.memory_space<vmem>>) semaphore(%arg21 : memref<!tpu.dma_semaphore, #tpu.memory_space<semaphore_mem>>)
    %dma_wait3A_23 = arith.constant 0 : i32
    %dma_wait3A_24 = arith.constant 0 : i32
    %dma_wait3A_25 = tpu.memref_slice %arg2[%dma_wait3A_23, %dma_wait3A_24] : memref<10000x128xf32, #tpu.memory_space<hbm>> -> memref<10000x128xf32, #tpu.memory_space<hbm>>
    tpu.wait_indirect_dma semaphore(%arg21 : memref<!tpu.dma_semaphore, #tpu.memory_space<semaphore_mem>>) src(%dma_wait3A_25 : memref<10000x128xf32, #tpu.memory_space<hbm>>) dst(%arg16 : memref<80x128xf32, #tpu.memory_space<vmem>>)
    %dma_start3A_26 = arith.constant 0 : i32
    %dma_start3A_27 = arith.constant 0 : i32
    %dma_start3A_28 = tpu.memref_slice %arg7[%dma_start3A_26, %dma_start3A_27] : memref<10240x128xf32, #tpu.memory_space<vmem_shared>> -> memref<10240x128xf32, #tpu.memory_space<vmem_shared>>
    tpu.enqueue_indirect_dma source(%arg16 : memref<80x128xf32, #tpu.memory_space<vmem>>) target(%dma_start3A_28 : memref<10240x128xf32, #tpu.memory_space<vmem_shared>>) offsets(%arg12 : memref<80xi32, #tpu.memory_space<vmem>>) semaphore(%arg22 : memref<!tpu.dma_semaphore, #tpu.memory_space<semaphore_mem>>) {add = true}
    %dma_wait3A_29 = arith.constant 0 : i32
    %dma_wait3A_30 = arith.constant 0 : i32
    %dma_wait3A_31 = tpu.memref_slice %arg7[%dma_wait3A_29, %dma_wait3A_30] : memref<10240x128xf32, #tpu.memory_space<vmem_shared>> -> memref<10240x128xf32, #tpu.memory_space<vmem_shared>>
    tpu.wait_indirect_dma semaphore(%arg22 : memref<!tpu.dma_semaphore, #tpu.memory_space<semaphore_mem>>) src(%arg16 : memref<80x128xf32, #tpu.memory_space<vmem>>) dst(%dma_wait3A_31 : memref<10240x128xf32, #tpu.memory_space<vmem_shared>>)
    %barrier3A_32 = arith.constant 0 : index
    tpu.barrier barrier_id(%barrier3A_32)
    "tpu.region"() ({
      %run_scoped3A = tpu.sem_alloc : memref<!tpu.dma_semaphore, #tpu.memory_space<semaphore_mem>>
      %dma_start3A_33 = arith.constant 0 : i32
      %dma_start3A_34 = tpu.memref_slice %arg6[%arg0, %mul3A_2, %dma_start3A_33] : memref<2x10240x128xf32, #tpu.memory_space<hbm>> -> memref<1x640x128xf32, #tpu.memory_space<hbm>>
      %dma_start3A_35 = tpu.memref_squeeze %dma_start3A_34 : memref<1x640x128xf32, #tpu.memory_space<hbm>> -> memref<640x128xf32, #tpu.memory_space<hbm>>
      %dma_start3A_36 = arith.constant 0 : i32
      %dma_start3A_37 = tpu.memref_slice %arg7[%mul3A_2, %dma_start3A_36] : memref<10240x128xf32, #tpu.memory_space<vmem_shared>> -> memref<640x128xf32, #tpu.memory_space<vmem_shared>>
      tpu.enqueue_dma source(%dma_start3A_37 : memref<640x128xf32, #tpu.memory_space<vmem_shared>>) target(%dma_start3A_35 : memref<640x128xf32, #tpu.memory_space<hbm>>) target_semaphore(%run_scoped3A : memref<!tpu.dma_semaphore, #tpu.memory_space<semaphore_mem>>)
      %dma_wait3A_38 = arith.constant 0 : i32
      %dma_wait3A_39 = tpu.memref_slice %arg6[%arg0, %mul3A_2, %dma_wait3A_38] : memref<2x10240x128xf32, #tpu.memory_space<hbm>> -> memref<1x640x128xf32, #tpu.memory_space<hbm>>
      %dma_wait3A_40 = tpu.memref_squeeze %dma_wait3A_39 : memref<1x640x128xf32, #tpu.memory_space<hbm>> -> memref<640x128xf32, #tpu.memory_space<hbm>>
      %dma_wait3A_41 = arith.constant 0 : i32
      %dma_wait3A_42 = tpu.memref_slice %arg7[%mul3A_2, %dma_wait3A_41] : memref<10240x128xf32, #tpu.memory_space<vmem_shared>> -> memref<640x128xf32, #tpu.memory_space<vmem_shared>>
      tpu.wait_dma2 semaphore(%run_scoped3A : memref<!tpu.dma_semaphore, #tpu.memory_space<semaphore_mem>>) src(%dma_wait3A_42 : memref<640x128xf32, #tpu.memory_space<vmem_shared>>) dst(%dma_wait3A_40 : memref<640x128xf32, #tpu.memory_space<hbm>>)
      tpu.yield
    }) : () -> ()
    return
  }
}

#map = affine_map<(d0, d1) -> (0, 0)>
#map1 = affine_map<(d0, d1) -> (0)>
#map2 = affine_map<(d0, d1) -> (0, 0, 0)>
module attributes {stable_mosaic.version = 14 : i64} {
  func.func @agg(%arg0: i32, %arg1: i32, %arg2: memref<10000x128xf32, #tpu.memory_space<hbm>>, %arg3: memref<320000xi32, #tpu.memory_space<hbm>>, %arg4: memref<320000xi32, #tpu.memory_space<hbm>>, %arg5: memref<10240x128xf32, #tpu.memory_space<hbm>>, %arg6: memref<2x10240x128xf32, #tpu.memory_space<hbm>>, %arg7: memref<10240x128xf32, #tpu.memory_space<vmem_shared>>, %arg8: memref<80xi32, #tpu.memory_space<vmem>>, %arg9: memref<80xi32, #tpu.memory_space<vmem>>, %arg10: memref<80xi32, #tpu.memory_space<vmem>>, %arg11: memref<80xi32, #tpu.memory_space<vmem>>, %arg12: memref<80xi32, #tpu.memory_space<vmem>>, %arg13: memref<80xi32, #tpu.memory_space<vmem>>, %arg14: memref<80xi32, #tpu.memory_space<vmem>>, %arg15: memref<80xi32, #tpu.memory_space<vmem>>, %arg16: memref<80x128xf32, #tpu.memory_space<vmem>>, %arg17: memref<80x128xf32, #tpu.memory_space<vmem>>, %arg18: memref<80x128xf32, #tpu.memory_space<vmem>>, %arg19: memref<80x128xf32, #tpu.memory_space<vmem>>, %arg20: memref<!tpu.dma_semaphore, #tpu.memory_space<semaphore_mem>>, %arg21: memref<!tpu.dma_semaphore, #tpu.memory_space<semaphore_mem>>, %arg22: memref<!tpu.dma_semaphore, #tpu.memory_space<semaphore_mem>>) attributes {dimension_semantics = [#tpu.dimension_semantics<core_parallel>, #tpu.dimension_semantics<subcore_parallel>], iteration_bounds = array<i64: 2, 16>, scalar_prefetch = 0 : i64, scratch_operands = 16 : i64, tpu.core_type = #tpu.core_type<sc_vector_subcore>, window_params = [{transform_indices = #map}, {transform_indices = #map1}, {transform_indices = #map1}, {transform_indices = #map}, {transform_indices = #map2}]} {
    %mul3A = arith.constant 2 : i32
    %mul3A_0 = arith.muli %arg1, %mul3A : i32
    %add3A = arith.addi %mul3A_0, %arg0 : i32
    %mul3A_1 = arith.constant 640 : i32
    %mul3A_2 = arith.muli %arg1, %mul3A_1 : i32
    "tpu.region"() ({
      %run_scoped3A = tpu.sem_alloc : memref<!tpu.dma_semaphore, #tpu.memory_space<semaphore_mem>>
      %dma_start3A_33 = arith.constant 0 : i32
      %dma_start3A_34 = tpu.memref_slice %arg7[%mul3A_2, %dma_start3A_33] : memref<10240x128xf32, #tpu.memory_space<vmem_shared>> -> memref<640x128xf32, #tpu.memory_space<vmem_shared>>
      %dma_start3A_35 = arith.constant 0 : i32
      %dma_start3A_36 = tpu.memref_slice %arg5[%mul3A_2, %dma_start3A_35] : memref<10240x128xf32, #tpu.memory_space<hbm>> -> memref<640x128xf32, #tpu.memory_space<hbm>>
      tpu.enqueue_dma source(%dma_start3A_36 : memref<640x128xf32, #tpu.memory_space<hbm>>) target(%dma_start3A_34 : memref<640x128xf32, #tpu.memory_space<vmem_shared>>) target_semaphore(%run_scoped3A : memref<!tpu.dma_semaphore, #tpu.memory_space<semaphore_mem>>)
      %dma_wait3A_37 = arith.constant 0 : i32
      %dma_wait3A_38 = tpu.memref_slice %arg7[%mul3A_2, %dma_wait3A_37] : memref<10240x128xf32, #tpu.memory_space<vmem_shared>> -> memref<640x128xf32, #tpu.memory_space<vmem_shared>>
      %dma_wait3A_39 = arith.constant 0 : i32
      %dma_wait3A_40 = tpu.memref_slice %arg5[%mul3A_2, %dma_wait3A_39] : memref<10240x128xf32, #tpu.memory_space<hbm>> -> memref<640x128xf32, #tpu.memory_space<hbm>>
      tpu.wait_dma2 semaphore(%run_scoped3A : memref<!tpu.dma_semaphore, #tpu.memory_space<semaphore_mem>>) src(%dma_wait3A_40 : memref<640x128xf32, #tpu.memory_space<hbm>>) dst(%dma_wait3A_38 : memref<640x128xf32, #tpu.memory_space<vmem_shared>>)
      tpu.yield
    }) : () -> ()
    %barrier3A = arith.constant 0 : index
    tpu.barrier barrier_id(%barrier3A)
    %mul3A_3 = arith.constant 10000 : i32
    %mul3A_4 = arith.muli %add3A, %mul3A_3 : i32
    %scan3A = arith.constant 0 : i32
    %scan3A_5 = arith.constant 0 : i32
    %scan3A_6 = arith.constant 31 : i32
    %scan3A_7 = arith.addi %scan3A_5, %scan3A_6 : i32
    %scan3A_8 = arith.constant 1 : i32
    scf.for %scan3A_33 = %scan3A_5 to %scan3A_7 step %scan3A_8  : i32 {
      %mul3A_34 = arith.constant 320 : i32
      %mul3A_35 = arith.muli %scan3A_33, %mul3A_34 : i32
      %add3A_36 = arith.addi %mul3A_4, %mul3A_35 : i32
      %add3A_37 = arith.constant 0 : i32
      %add3A_38 = arith.addi %add3A_36, %add3A_37 : i32
      %dma_start3A_39 = tpu.memref_slice %arg4[%add3A_38] : memref<320000xi32, #tpu.memory_space<hbm>> -> memref<80xi32, #tpu.memory_space<hbm>>
      %dma_start3A_40 = tpu.memref_slice %arg4[%add3A_38] : memref<320000xi32, #tpu.memory_space<hbm>> -> memref<80xi32, #tpu.memory_space<hbm>>
      tpu.enqueue_dma source(%dma_start3A_40 : memref<80xi32, #tpu.memory_space<hbm>>) target(%arg12 : memref<80xi32, #tpu.memory_space<vmem>>) target_semaphore(%arg20 : memref<!tpu.dma_semaphore, #tpu.memory_space<semaphore_mem>>)
      %dma_start3A_41 = tpu.memref_slice %arg3[%add3A_38] : memref<320000xi32, #tpu.memory_space<hbm>> -> memref<80xi32, #tpu.memory_space<hbm>>
      %dma_start3A_42 = tpu.memref_slice %arg3[%add3A_38] : memref<320000xi32, #tpu.memory_space<hbm>> -> memref<80xi32, #tpu.memory_space<hbm>>
      tpu.enqueue_dma source(%dma_start3A_42 : memref<80xi32, #tpu.memory_space<hbm>>) target(%arg8 : memref<80xi32, #tpu.memory_space<vmem>>) target_semaphore(%arg20 : memref<!tpu.dma_semaphore, #tpu.memory_space<semaphore_mem>>)
      %add3A_43 = arith.constant 80 : i32
      %add3A_44 = arith.addi %add3A_36, %add3A_43 : i32
      %dma_start3A_45 = tpu.memref_slice %arg4[%add3A_44] : memref<320000xi32, #tpu.memory_space<hbm>> -> memref<80xi32, #tpu.memory_space<hbm>>
      %dma_start3A_46 = tpu.memref_slice %arg4[%add3A_44] : memref<320000xi32, #tpu.memory_space<hbm>> -> memref<80xi32, #tpu.memory_space<hbm>>
      tpu.enqueue_dma source(%dma_start3A_46 : memref<80xi32, #tpu.memory_space<hbm>>) target(%arg13 : memref<80xi32, #tpu.memory_space<vmem>>) target_semaphore(%arg20 : memref<!tpu.dma_semaphore, #tpu.memory_space<semaphore_mem>>)
      %dma_start3A_47 = tpu.memref_slice %arg3[%add3A_44] : memref<320000xi32, #tpu.memory_space<hbm>> -> memref<80xi32, #tpu.memory_space<hbm>>
      %dma_start3A_48 = tpu.memref_slice %arg3[%add3A_44] : memref<320000xi32, #tpu.memory_space<hbm>> -> memref<80xi32, #tpu.memory_space<hbm>>
      tpu.enqueue_dma source(%dma_start3A_48 : memref<80xi32, #tpu.memory_space<hbm>>) target(%arg9 : memref<80xi32, #tpu.memory_space<vmem>>) target_semaphore(%arg20 : memref<!tpu.dma_semaphore, #tpu.memory_space<semaphore_mem>>)
      %add3A_49 = arith.constant 160 : i32
      %add3A_50 = arith.addi %add3A_36, %add3A_49 : i32
      %dma_start3A_51 = tpu.memref_slice %arg4[%add3A_50] : memref<320000xi32, #tpu.memory_space<hbm>> -> memref<80xi32, #tpu.memory_space<hbm>>
      %dma_start3A_52 = tpu.memref_slice %arg4[%add3A_50] : memref<320000xi32, #tpu.memory_space<hbm>> -> memref<80xi32, #tpu.memory_space<hbm>>
      tpu.enqueue_dma source(%dma_start3A_52 : memref<80xi32, #tpu.memory_space<hbm>>) target(%arg14 : memref<80xi32, #tpu.memory_space<vmem>>) target_semaphore(%arg20 : memref<!tpu.dma_semaphore, #tpu.memory_space<semaphore_mem>>)
      %dma_start3A_53 = tpu.memref_slice %arg3[%add3A_50] : memref<320000xi32, #tpu.memory_space<hbm>> -> memref<80xi32, #tpu.memory_space<hbm>>
      %dma_start3A_54 = tpu.memref_slice %arg3[%add3A_50] : memref<320000xi32, #tpu.memory_space<hbm>> -> memref<80xi32, #tpu.memory_space<hbm>>
      tpu.enqueue_dma source(%dma_start3A_54 : memref<80xi32, #tpu.memory_space<hbm>>) target(%arg10 : memref<80xi32, #tpu.memory_space<vmem>>) target_semaphore(%arg20 : memref<!tpu.dma_semaphore, #tpu.memory_space<semaphore_mem>>)
      %add3A_55 = arith.constant 240 : i32
      %add3A_56 = arith.addi %add3A_36, %add3A_55 : i32
      %dma_start3A_57 = tpu.memref_slice %arg4[%add3A_56] : memref<320000xi32, #tpu.memory_space<hbm>> -> memref<80xi32, #tpu.memory_space<hbm>>
      %dma_start3A_58 = tpu.memref_slice %arg4[%add3A_56] : memref<320000xi32, #tpu.memory_space<hbm>> -> memref<80xi32, #tpu.memory_space<hbm>>
      tpu.enqueue_dma source(%dma_start3A_58 : memref<80xi32, #tpu.memory_space<hbm>>) target(%arg15 : memref<80xi32, #tpu.memory_space<vmem>>) target_semaphore(%arg20 : memref<!tpu.dma_semaphore, #tpu.memory_space<semaphore_mem>>)
      %dma_start3A_59 = tpu.memref_slice %arg3[%add3A_56] : memref<320000xi32, #tpu.memory_space<hbm>> -> memref<80xi32, #tpu.memory_space<hbm>>
      %dma_start3A_60 = tpu.memref_slice %arg3[%add3A_56] : memref<320000xi32, #tpu.memory_space<hbm>> -> memref<80xi32, #tpu.memory_space<hbm>>
      tpu.enqueue_dma source(%dma_start3A_60 : memref<80xi32, #tpu.memory_space<hbm>>) target(%arg11 : memref<80xi32, #tpu.memory_space<vmem>>) target_semaphore(%arg20 : memref<!tpu.dma_semaphore, #tpu.memory_space<semaphore_mem>>)
      %dma_wait3A_61 = tpu.memref_slice %arg4[%add3A_38] : memref<320000xi32, #tpu.memory_space<hbm>> -> memref<80xi32, #tpu.memory_space<hbm>>
      %dma_wait3A_62 = tpu.memref_slice %arg4[%add3A_38] : memref<320000xi32, #tpu.memory_space<hbm>> -> memref<80xi32, #tpu.memory_space<hbm>>
      tpu.wait_dma2 semaphore(%arg20 : memref<!tpu.dma_semaphore, #tpu.memory_space<semaphore_mem>>) src(%dma_wait3A_62 : memref<80xi32, #tpu.memory_space<hbm>>) dst(%arg12 : memref<80xi32, #tpu.memory_space<vmem>>)
      %dma_wait3A_63 = tpu.memref_slice %arg3[%add3A_38] : memref<320000xi32, #tpu.memory_space<hbm>> -> memref<80xi32, #tpu.memory_space<hbm>>
      %dma_wait3A_64 = tpu.memref_slice %arg3[%add3A_38] : memref<320000xi32, #tpu.memory_space<hbm>> -> memref<80xi32, #tpu.memory_space<hbm>>
      tpu.wait_dma2 semaphore(%arg20 : memref<!tpu.dma_semaphore, #tpu.memory_space<semaphore_mem>>) src(%dma_wait3A_64 : memref<80xi32, #tpu.memory_space<hbm>>) dst(%arg8 : memref<80xi32, #tpu.memory_space<vmem>>)
      %dma_start3A_65 = arith.constant 0 : i32
      %dma_start3A_66 = arith.constant 0 : i32
      %dma_start3A_67 = tpu.memref_slice %arg2[%dma_start3A_65, %dma_start3A_66] : memref<10000x128xf32, #tpu.memory_space<hbm>> -> memref<10000x128xf32, #tpu.memory_space<hbm>>
      tpu.enqueue_indirect_dma source(%dma_start3A_67 : memref<10000x128xf32, #tpu.memory_space<hbm>>) target(%arg16 : memref<80x128xf32, #tpu.memory_space<vmem>>) offsets(%arg8 : memref<80xi32, #tpu.memory_space<vmem>>) semaphore(%arg21 : memref<!tpu.dma_semaphore, #tpu.memory_space<semaphore_mem>>)
      %dma_wait3A_68 = tpu.memref_slice %arg4[%add3A_44] : memref<320000xi32, #tpu.memory_space<hbm>> -> memref<80xi32, #tpu.memory_space<hbm>>
      %dma_wait3A_69 = tpu.memref_slice %arg4[%add3A_44] : memref<320000xi32, #tpu.memory_space<hbm>> -> memref<80xi32, #tpu.memory_space<hbm>>
      tpu.wait_dma2 semaphore(%arg20 : memref<!tpu.dma_semaphore, #tpu.memory_space<semaphore_mem>>) src(%dma_wait3A_69 : memref<80xi32, #tpu.memory_space<hbm>>) dst(%arg13 : memref<80xi32, #tpu.memory_space<vmem>>)
      %dma_wait3A_70 = tpu.memref_slice %arg3[%add3A_44] : memref<320000xi32, #tpu.memory_space<hbm>> -> memref<80xi32, #tpu.memory_space<hbm>>
      %dma_wait3A_71 = tpu.memref_slice %arg3[%add3A_44] : memref<320000xi32, #tpu.memory_space<hbm>> -> memref<80xi32, #tpu.memory_space<hbm>>
      tpu.wait_dma2 semaphore(%arg20 : memref<!tpu.dma_semaphore, #tpu.memory_space<semaphore_mem>>) src(%dma_wait3A_71 : memref<80xi32, #tpu.memory_space<hbm>>) dst(%arg9 : memref<80xi32, #tpu.memory_space<vmem>>)
      %dma_start3A_72 = arith.constant 0 : i32
      %dma_start3A_73 = arith.constant 0 : i32
      %dma_start3A_74 = tpu.memref_slice %arg2[%dma_start3A_72, %dma_start3A_73] : memref<10000x128xf32, #tpu.memory_space<hbm>> -> memref<10000x128xf32, #tpu.memory_space<hbm>>
      tpu.enqueue_indirect_dma source(%dma_start3A_74 : memref<10000x128xf32, #tpu.memory_space<hbm>>) target(%arg17 : memref<80x128xf32, #tpu.memory_space<vmem>>) offsets(%arg9 : memref<80xi32, #tpu.memory_space<vmem>>) semaphore(%arg21 : memref<!tpu.dma_semaphore, #tpu.memory_space<semaphore_mem>>)
      %dma_wait3A_75 = tpu.memref_slice %arg4[%add3A_50] : memref<320000xi32, #tpu.memory_space<hbm>> -> memref<80xi32, #tpu.memory_space<hbm>>
      %dma_wait3A_76 = tpu.memref_slice %arg4[%add3A_50] : memref<320000xi32, #tpu.memory_space<hbm>> -> memref<80xi32, #tpu.memory_space<hbm>>
      tpu.wait_dma2 semaphore(%arg20 : memref<!tpu.dma_semaphore, #tpu.memory_space<semaphore_mem>>) src(%dma_wait3A_76 : memref<80xi32, #tpu.memory_space<hbm>>) dst(%arg14 : memref<80xi32, #tpu.memory_space<vmem>>)
      %dma_wait3A_77 = tpu.memref_slice %arg3[%add3A_50] : memref<320000xi32, #tpu.memory_space<hbm>> -> memref<80xi32, #tpu.memory_space<hbm>>
      %dma_wait3A_78 = tpu.memref_slice %arg3[%add3A_50] : memref<320000xi32, #tpu.memory_space<hbm>> -> memref<80xi32, #tpu.memory_space<hbm>>
      tpu.wait_dma2 semaphore(%arg20 : memref<!tpu.dma_semaphore, #tpu.memory_space<semaphore_mem>>) src(%dma_wait3A_78 : memref<80xi32, #tpu.memory_space<hbm>>) dst(%arg10 : memref<80xi32, #tpu.memory_space<vmem>>)
      %dma_start3A_79 = arith.constant 0 : i32
      %dma_start3A_80 = arith.constant 0 : i32
      %dma_start3A_81 = tpu.memref_slice %arg2[%dma_start3A_79, %dma_start3A_80] : memref<10000x128xf32, #tpu.memory_space<hbm>> -> memref<10000x128xf32, #tpu.memory_space<hbm>>
      tpu.enqueue_indirect_dma source(%dma_start3A_81 : memref<10000x128xf32, #tpu.memory_space<hbm>>) target(%arg18 : memref<80x128xf32, #tpu.memory_space<vmem>>) offsets(%arg10 : memref<80xi32, #tpu.memory_space<vmem>>) semaphore(%arg21 : memref<!tpu.dma_semaphore, #tpu.memory_space<semaphore_mem>>)
      %dma_wait3A_82 = tpu.memref_slice %arg4[%add3A_56] : memref<320000xi32, #tpu.memory_space<hbm>> -> memref<80xi32, #tpu.memory_space<hbm>>
      %dma_wait3A_83 = tpu.memref_slice %arg4[%add3A_56] : memref<320000xi32, #tpu.memory_space<hbm>> -> memref<80xi32, #tpu.memory_space<hbm>>
      tpu.wait_dma2 semaphore(%arg20 : memref<!tpu.dma_semaphore, #tpu.memory_space<semaphore_mem>>) src(%dma_wait3A_83 : memref<80xi32, #tpu.memory_space<hbm>>) dst(%arg15 : memref<80xi32, #tpu.memory_space<vmem>>)
      %dma_wait3A_84 = tpu.memref_slice %arg3[%add3A_56] : memref<320000xi32, #tpu.memory_space<hbm>> -> memref<80xi32, #tpu.memory_space<hbm>>
      %dma_wait3A_85 = tpu.memref_slice %arg3[%add3A_56] : memref<320000xi32, #tpu.memory_space<hbm>> -> memref<80xi32, #tpu.memory_space<hbm>>
      tpu.wait_dma2 semaphore(%arg20 : memref<!tpu.dma_semaphore, #tpu.memory_space<semaphore_mem>>) src(%dma_wait3A_85 : memref<80xi32, #tpu.memory_space<hbm>>) dst(%arg11 : memref<80xi32, #tpu.memory_space<vmem>>)
      %dma_start3A_86 = arith.constant 0 : i32
      %dma_start3A_87 = arith.constant 0 : i32
      %dma_start3A_88 = tpu.memref_slice %arg2[%dma_start3A_86, %dma_start3A_87] : memref<10000x128xf32, #tpu.memory_space<hbm>> -> memref<10000x128xf32, #tpu.memory_space<hbm>>
      tpu.enqueue_indirect_dma source(%dma_start3A_88 : memref<10000x128xf32, #tpu.memory_space<hbm>>) target(%arg19 : memref<80x128xf32, #tpu.memory_space<vmem>>) offsets(%arg11 : memref<80xi32, #tpu.memory_space<vmem>>) semaphore(%arg21 : memref<!tpu.dma_semaphore, #tpu.memory_space<semaphore_mem>>)
      %dma_wait3A_89 = arith.constant 0 : i32
      %dma_wait3A_90 = arith.constant 0 : i32
      %dma_wait3A_91 = tpu.memref_slice %arg2[%dma_wait3A_89, %dma_wait3A_90] : memref<10000x128xf32, #tpu.memory_space<hbm>> -> memref<10000x128xf32, #tpu.memory_space<hbm>>
      tpu.wait_indirect_dma semaphore(%arg21 : memref<!tpu.dma_semaphore, #tpu.memory_space<semaphore_mem>>) src(%dma_wait3A_91 : memref<10000x128xf32, #tpu.memory_space<hbm>>) dst(%arg16 : memref<80x128xf32, #tpu.memory_space<vmem>>)
      %dma_start3A_92 = arith.constant 0 : i32
      %dma_start3A_93 = arith.constant 0 : i32
      %dma_start3A_94 = tpu.memref_slice %arg7[%dma_start3A_92, %dma_start3A_93] : memref<10240x128xf32, #tpu.memory_space<vmem_shared>> -> memref<10240x128xf32, #tpu.memory_space<vmem_shared>>
      tpu.enqueue_indirect_dma source(%arg16 : memref<80x128xf32, #tpu.memory_space<vmem>>) target(%dma_start3A_94 : memref<10240x128xf32, #tpu.memory_space<vmem_shared>>) offsets(%arg12 : memref<80xi32, #tpu.memory_space<vmem>>) semaphore(%arg22 : memref<!tpu.dma_semaphore, #tpu.memory_space<semaphore_mem>>) {add = true}
      %dma_wait3A_95 = arith.constant 0 : i32
      %dma_wait3A_96 = arith.constant 0 : i32
      %dma_wait3A_97 = tpu.memref_slice %arg2[%dma_wait3A_95, %dma_wait3A_96] : memref<10000x128xf32, #tpu.memory_space<hbm>> -> memref<10000x128xf32, #tpu.memory_space<hbm>>
      tpu.wait_indirect_dma semaphore(%arg21 : memref<!tpu.dma_semaphore, #tpu.memory_space<semaphore_mem>>) src(%dma_wait3A_97 : memref<10000x128xf32, #tpu.memory_space<hbm>>) dst(%arg17 : memref<80x128xf32, #tpu.memory_space<vmem>>)
      %dma_start3A_98 = arith.constant 0 : i32
      %dma_start3A_99 = arith.constant 0 : i32
      %dma_start3A_100 = tpu.memref_slice %arg7[%dma_start3A_98, %dma_start3A_99] : memref<10240x128xf32, #tpu.memory_space<vmem_shared>> -> memref<10240x128xf32, #tpu.memory_space<vmem_shared>>
      tpu.enqueue_indirect_dma source(%arg17 : memref<80x128xf32, #tpu.memory_space<vmem>>) target(%dma_start3A_100 : memref<10240x128xf32, #tpu.memory_space<vmem_shared>>) offsets(%arg13 : memref<80xi32, #tpu.memory_space<vmem>>) semaphore(%arg22 : memref<!tpu.dma_semaphore, #tpu.memory_space<semaphore_mem>>) {add = true}
      %dma_wait3A_101 = arith.constant 0 : i32
      %dma_wait3A_102 = arith.constant 0 : i32
      %dma_wait3A_103 = tpu.memref_slice %arg2[%dma_wait3A_101, %dma_wait3A_102] : memref<10000x128xf32, #tpu.memory_space<hbm>> -> memref<10000x128xf32, #tpu.memory_space<hbm>>
      tpu.wait_indirect_dma semaphore(%arg21 : memref<!tpu.dma_semaphore, #tpu.memory_space<semaphore_mem>>) src(%dma_wait3A_103 : memref<10000x128xf32, #tpu.memory_space<hbm>>) dst(%arg18 : memref<80x128xf32, #tpu.memory_space<vmem>>)
      %dma_start3A_104 = arith.constant 0 : i32
      %dma_start3A_105 = arith.constant 0 : i32
      %dma_start3A_106 = tpu.memref_slice %arg7[%dma_start3A_104, %dma_start3A_105] : memref<10240x128xf32, #tpu.memory_space<vmem_shared>> -> memref<10240x128xf32, #tpu.memory_space<vmem_shared>>
      tpu.enqueue_indirect_dma source(%arg18 : memref<80x128xf32, #tpu.memory_space<vmem>>) target(%dma_start3A_106 : memref<10240x128xf32, #tpu.memory_space<vmem_shared>>) offsets(%arg14 : memref<80xi32, #tpu.memory_space<vmem>>) semaphore(%arg22 : memref<!tpu.dma_semaphore, #tpu.memory_space<semaphore_mem>>) {add = true}
      %dma_wait3A_107 = arith.constant 0 : i32
      %dma_wait3A_108 = arith.constant 0 : i32
      %dma_wait3A_109 = tpu.memref_slice %arg2[%dma_wait3A_107, %dma_wait3A_108] : memref<10000x128xf32, #tpu.memory_space<hbm>> -> memref<10000x128xf32, #tpu.memory_space<hbm>>
      tpu.wait_indirect_dma semaphore(%arg21 : memref<!tpu.dma_semaphore, #tpu.memory_space<semaphore_mem>>) src(%dma_wait3A_109 : memref<10000x128xf32, #tpu.memory_space<hbm>>) dst(%arg19 : memref<80x128xf32, #tpu.memory_space<vmem>>)
      %dma_start3A_110 = arith.constant 0 : i32
      %dma_start3A_111 = arith.constant 0 : i32
      %dma_start3A_112 = tpu.memref_slice %arg7[%dma_start3A_110, %dma_start3A_111] : memref<10240x128xf32, #tpu.memory_space<vmem_shared>> -> memref<10240x128xf32, #tpu.memory_space<vmem_shared>>
      tpu.enqueue_indirect_dma source(%arg19 : memref<80x128xf32, #tpu.memory_space<vmem>>) target(%dma_start3A_112 : memref<10240x128xf32, #tpu.memory_space<vmem_shared>>) offsets(%arg15 : memref<80xi32, #tpu.memory_space<vmem>>) semaphore(%arg22 : memref<!tpu.dma_semaphore, #tpu.memory_space<semaphore_mem>>) {add = true}
      %dma_wait3A_113 = arith.constant 0 : i32
      %dma_wait3A_114 = arith.constant 0 : i32
      %dma_wait3A_115 = tpu.memref_slice %arg7[%dma_wait3A_113, %dma_wait3A_114] : memref<10240x128xf32, #tpu.memory_space<vmem_shared>> -> memref<10240x128xf32, #tpu.memory_space<vmem_shared>>
      tpu.wait_indirect_dma semaphore(%arg22 : memref<!tpu.dma_semaphore, #tpu.memory_space<semaphore_mem>>) src(%arg16 : memref<80x128xf32, #tpu.memory_space<vmem>>) dst(%dma_wait3A_115 : memref<10240x128xf32, #tpu.memory_space<vmem_shared>>)
      %dma_wait3A_116 = arith.constant 0 : i32
      %dma_wait3A_117 = arith.constant 0 : i32
      %dma_wait3A_118 = tpu.memref_slice %arg7[%dma_wait3A_116, %dma_wait3A_117] : memref<10240x128xf32, #tpu.memory_space<vmem_shared>> -> memref<10240x128xf32, #tpu.memory_space<vmem_shared>>
      tpu.wait_indirect_dma semaphore(%arg22 : memref<!tpu.dma_semaphore, #tpu.memory_space<semaphore_mem>>) src(%arg17 : memref<80x128xf32, #tpu.memory_space<vmem>>) dst(%dma_wait3A_118 : memref<10240x128xf32, #tpu.memory_space<vmem_shared>>)
      %dma_wait3A_119 = arith.constant 0 : i32
      %dma_wait3A_120 = arith.constant 0 : i32
      %dma_wait3A_121 = tpu.memref_slice %arg7[%dma_wait3A_119, %dma_wait3A_120] : memref<10240x128xf32, #tpu.memory_space<vmem_shared>> -> memref<10240x128xf32, #tpu.memory_space<vmem_shared>>
      tpu.wait_indirect_dma semaphore(%arg22 : memref<!tpu.dma_semaphore, #tpu.memory_space<semaphore_mem>>) src(%arg18 : memref<80x128xf32, #tpu.memory_space<vmem>>) dst(%dma_wait3A_121 : memref<10240x128xf32, #tpu.memory_space<vmem_shared>>)
      %dma_wait3A_122 = arith.constant 0 : i32
      %dma_wait3A_123 = arith.constant 0 : i32
      %dma_wait3A_124 = tpu.memref_slice %arg7[%dma_wait3A_122, %dma_wait3A_123] : memref<10240x128xf32, #tpu.memory_space<vmem_shared>> -> memref<10240x128xf32, #tpu.memory_space<vmem_shared>>
      tpu.wait_indirect_dma semaphore(%arg22 : memref<!tpu.dma_semaphore, #tpu.memory_space<semaphore_mem>>) src(%arg19 : memref<80x128xf32, #tpu.memory_space<vmem>>) dst(%dma_wait3A_124 : memref<10240x128xf32, #tpu.memory_space<vmem_shared>>)
    }
    %scan3A_9 = arith.constant 31 : i32
    %add3A_10 = arith.constant 9920 : i32
    %add3A_11 = arith.addi %mul3A_4, %add3A_10 : i32
    %add3A_12 = arith.constant 0 : i32
    %add3A_13 = arith.addi %add3A_11, %add3A_12 : i32
    %dma_start3A = tpu.memref_slice %arg4[%add3A_13] : memref<320000xi32, #tpu.memory_space<hbm>> -> memref<80xi32, #tpu.memory_space<hbm>>
    %dma_start3A_14 = tpu.memref_slice %arg4[%add3A_13] : memref<320000xi32, #tpu.memory_space<hbm>> -> memref<80xi32, #tpu.memory_space<hbm>>
    tpu.enqueue_dma source(%dma_start3A_14 : memref<80xi32, #tpu.memory_space<hbm>>) target(%arg12 : memref<80xi32, #tpu.memory_space<vmem>>) target_semaphore(%arg20 : memref<!tpu.dma_semaphore, #tpu.memory_space<semaphore_mem>>)
    %dma_start3A_15 = tpu.memref_slice %arg3[%add3A_13] : memref<320000xi32, #tpu.memory_space<hbm>> -> memref<80xi32, #tpu.memory_space<hbm>>
    %dma_start3A_16 = tpu.memref_slice %arg3[%add3A_13] : memref<320000xi32, #tpu.memory_space<hbm>> -> memref<80xi32, #tpu.memory_space<hbm>>
    tpu.enqueue_dma source(%dma_start3A_16 : memref<80xi32, #tpu.memory_space<hbm>>) target(%arg8 : memref<80xi32, #tpu.memory_space<vmem>>) target_semaphore(%arg20 : memref<!tpu.dma_semaphore, #tpu.memory_space<semaphore_mem>>)
    %dma_wait3A = tpu.memref_slice %arg4[%add3A_13] : memref<320000xi32, #tpu.memory_space<hbm>> -> memref<80xi32, #tpu.memory_space<hbm>>
    %dma_wait3A_17 = tpu.memref_slice %arg4[%add3A_13] : memref<320000xi32, #tpu.memory_space<hbm>> -> memref<80xi32, #tpu.memory_space<hbm>>
    tpu.wait_dma2 semaphore(%arg20 : memref<!tpu.dma_semaphore, #tpu.memory_space<semaphore_mem>>) src(%dma_wait3A_17 : memref<80xi32, #tpu.memory_space<hbm>>) dst(%arg12 : memref<80xi32, #tpu.memory_space<vmem>>)
    %dma_wait3A_18 = tpu.memref_slice %arg3[%add3A_13] : memref<320000xi32, #tpu.memory_space<hbm>> -> memref<80xi32, #tpu.memory_space<hbm>>
    %dma_wait3A_19 = tpu.memref_slice %arg3[%add3A_13] : memref<320000xi32, #tpu.memory_space<hbm>> -> memref<80xi32, #tpu.memory_space<hbm>>
    tpu.wait_dma2 semaphore(%arg20 : memref<!tpu.dma_semaphore, #tpu.memory_space<semaphore_mem>>) src(%dma_wait3A_19 : memref<80xi32, #tpu.memory_space<hbm>>) dst(%arg8 : memref<80xi32, #tpu.memory_space<vmem>>)
    %dma_start3A_20 = arith.constant 0 : i32
    %dma_start3A_21 = arith.constant 0 : i32
    %dma_start3A_22 = tpu.memref_slice %arg2[%dma_start3A_20, %dma_start3A_21] : memref<10000x128xf32, #tpu.memory_space<hbm>> -> memref<10000x128xf32, #tpu.memory_space<hbm>>
    tpu.enqueue_indirect_dma source(%dma_start3A_22 : memref<10000x128xf32, #tpu.memory_space<hbm>>) target(%arg16 : memref<80x128xf32, #tpu.memory_space<vmem>>) offsets(%arg8 : memref<80xi32, #tpu.memory_space<vmem>>) semaphore(%arg21 : memref<!tpu.dma_semaphore, #tpu.memory_space<semaphore_mem>>)
    %dma_wait3A_23 = arith.constant 0 : i32
    %dma_wait3A_24 = arith.constant 0 : i32
    %dma_wait3A_25 = tpu.memref_slice %arg2[%dma_wait3A_23, %dma_wait3A_24] : memref<10000x128xf32, #tpu.memory_space<hbm>> -> memref<10000x128xf32, #tpu.memory_space<hbm>>
    tpu.wait_indirect_dma semaphore(%arg21 : memref<!tpu.dma_semaphore, #tpu.memory_space<semaphore_mem>>) src(%dma_wait3A_25 : memref<10000x128xf32, #tpu.memory_space<hbm>>) dst(%arg16 : memref<80x128xf32, #tpu.memory_space<vmem>>)
    %dma_start3A_26 = arith.constant 0 : i32
    %dma_start3A_27 = arith.constant 0 : i32
    %dma_start3A_28 = tpu.memref_slice %arg7[%dma_start3A_26, %dma_start3A_27] : memref<10240x128xf32, #tpu.memory_space<vmem_shared>> -> memref<10240x128xf32, #tpu.memory_space<vmem_shared>>
    tpu.enqueue_indirect_dma source(%arg16 : memref<80x128xf32, #tpu.memory_space<vmem>>) target(%dma_start3A_28 : memref<10240x128xf32, #tpu.memory_space<vmem_shared>>) offsets(%arg12 : memref<80xi32, #tpu.memory_space<vmem>>) semaphore(%arg22 : memref<!tpu.dma_semaphore, #tpu.memory_space<semaphore_mem>>) {add = true}
    %dma_wait3A_29 = arith.constant 0 : i32
    %dma_wait3A_30 = arith.constant 0 : i32
    %dma_wait3A_31 = tpu.memref_slice %arg7[%dma_wait3A_29, %dma_wait3A_30] : memref<10240x128xf32, #tpu.memory_space<vmem_shared>> -> memref<10240x128xf32, #tpu.memory_space<vmem_shared>>
    tpu.wait_indirect_dma semaphore(%arg22 : memref<!tpu.dma_semaphore, #tpu.memory_space<semaphore_mem>>) src(%arg16 : memref<80x128xf32, #tpu.memory_space<vmem>>) dst(%dma_wait3A_31 : memref<10240x128xf32, #tpu.memory_space<vmem_shared>>)
    %barrier3A_32 = arith.constant 0 : index
    tpu.barrier barrier_id(%barrier3A_32)
    "tpu.region"() ({
      %run_scoped3A = tpu.sem_alloc : memref<!tpu.dma_semaphore, #tpu.memory_space<semaphore_mem>>
      %dma_start3A_33 = arith.constant 0 : i32
      %dma_start3A_34 = tpu.memref_slice %arg6[%arg0, %mul3A_2, %dma_start3A_33] : memref<2x10240x128xf32, #tpu.memory_space<hbm>> -> memref<1x640x128xf32, #tpu.memory_space<hbm>>
      %dma_start3A_35 = tpu.memref_squeeze %dma_start3A_34 : memref<1x640x128xf32, #tpu.memory_space<hbm>> -> memref<640x128xf32, #tpu.memory_space<hbm>>
      %dma_start3A_36 = arith.constant 0 : i32
      %dma_start3A_37 = tpu.memref_slice %arg7[%mul3A_2, %dma_start3A_36] : memref<10240x128xf32, #tpu.memory_space<vmem_shared>> -> memref<640x128xf32, #tpu.memory_space<vmem_shared>>
      tpu.enqueue_dma source(%dma_start3A_37 : memref<640x128xf32, #tpu.memory_space<vmem_shared>>) target(%dma_start3A_35 : memref<640x128xf32, #tpu.memory_space<hbm>>) target_semaphore(%run_scoped3A : memref<!tpu.dma_semaphore, #tpu.memory_space<semaphore_mem>>)
      %dma_wait3A_38 = arith.constant 0 : i32
      %dma_wait3A_39 = tpu.memref_slice %arg6[%arg0, %mul3A_2, %dma_wait3A_38] : memref<2x10240x128xf32, #tpu.memory_space<hbm>> -> memref<1x640x128xf32, #tpu.memory_space<hbm>>
      %dma_wait3A_40 = tpu.memref_squeeze %dma_wait3A_39 : memref<1x640x128xf32, #tpu.memory_space<hbm>> -> memref<640x128xf32, #tpu.memory_space<hbm>>
      %dma_wait3A_41 = arith.constant 0 : i32
      %dma_wait3A_42 = tpu.memref_slice %arg7[%mul3A_2, %dma_wait3A_41] : memref<10240x128xf32, #tpu.memory_space<vmem_shared>> -> memref<640x128xf32, #tpu.memory_space<vmem_shared>>
      tpu.wait_dma2 semaphore(%run_scoped3A : memref<!tpu.dma_semaphore, #tpu.memory_space<semaphore_mem>>) src(%dma_wait3A_42 : memref<640x128xf32, #tpu.memory_space<vmem_shared>>) dst(%dma_wait3A_40 : memref<640x128xf32, #tpu.memory_space<hbm>>)
      tpu.yield
    }) : () -> ()
    return
  }
}

#map = affine_map<(d0, d1) -> (0, 0)>
#map1 = affine_map<(d0, d1) -> (0)>
#map2 = affine_map<(d0, d1) -> (0, 0, 0)>
module attributes {stable_mosaic.version = 14 : i64} {
  func.func @agg(%arg0: i32, %arg1: i32, %arg2: memref<320000x128xf32, #tpu.memory_space<hbm>>, %arg3: memref<320000xi32, #tpu.memory_space<hbm>>, %arg4: memref<320000xi32, #tpu.memory_space<hbm>>, %arg5: memref<10240x128xf32, #tpu.memory_space<hbm>>, %arg6: memref<2x10240x128xf32, #tpu.memory_space<hbm>>, %arg7: memref<10240x128xf32, #tpu.memory_space<vmem_shared>>, %arg8: memref<80xi32, #tpu.memory_space<vmem>>, %arg9: memref<80xi32, #tpu.memory_space<vmem>>, %arg10: memref<80xi32, #tpu.memory_space<vmem>>, %arg11: memref<80xi32, #tpu.memory_space<vmem>>, %arg12: memref<80xi32, #tpu.memory_space<vmem>>, %arg13: memref<80xi32, #tpu.memory_space<vmem>>, %arg14: memref<80xi32, #tpu.memory_space<vmem>>, %arg15: memref<80xi32, #tpu.memory_space<vmem>>, %arg16: memref<80x128xf32, #tpu.memory_space<vmem>>, %arg17: memref<80x128xf32, #tpu.memory_space<vmem>>, %arg18: memref<80x128xf32, #tpu.memory_space<vmem>>, %arg19: memref<80x128xf32, #tpu.memory_space<vmem>>, %arg20: memref<!tpu.dma_semaphore, #tpu.memory_space<semaphore_mem>>, %arg21: memref<!tpu.dma_semaphore, #tpu.memory_space<semaphore_mem>>, %arg22: memref<!tpu.dma_semaphore, #tpu.memory_space<semaphore_mem>>) attributes {dimension_semantics = [#tpu.dimension_semantics<core_parallel>, #tpu.dimension_semantics<subcore_parallel>], iteration_bounds = array<i64: 2, 16>, scalar_prefetch = 0 : i64, scratch_operands = 16 : i64, tpu.core_type = #tpu.core_type<sc_vector_subcore>, window_params = [{transform_indices = #map}, {transform_indices = #map1}, {transform_indices = #map1}, {transform_indices = #map}, {transform_indices = #map2}]} {
    %mul3A = arith.constant 2 : i32
    %mul3A_0 = arith.muli %arg1, %mul3A : i32
    %add3A = arith.addi %mul3A_0, %arg0 : i32
    %mul3A_1 = arith.constant 640 : i32
    %mul3A_2 = arith.muli %arg1, %mul3A_1 : i32
    "tpu.region"() ({
      %run_scoped3A = tpu.sem_alloc : memref<!tpu.dma_semaphore, #tpu.memory_space<semaphore_mem>>
      %dma_start3A_31 = arith.constant 0 : i32
      %dma_start3A_32 = tpu.memref_slice %arg7[%mul3A_2, %dma_start3A_31] : memref<10240x128xf32, #tpu.memory_space<vmem_shared>> -> memref<640x128xf32, #tpu.memory_space<vmem_shared>>
      %dma_start3A_33 = arith.constant 0 : i32
      %dma_start3A_34 = tpu.memref_slice %arg5[%mul3A_2, %dma_start3A_33] : memref<10240x128xf32, #tpu.memory_space<hbm>> -> memref<640x128xf32, #tpu.memory_space<hbm>>
      tpu.enqueue_dma source(%dma_start3A_34 : memref<640x128xf32, #tpu.memory_space<hbm>>) target(%dma_start3A_32 : memref<640x128xf32, #tpu.memory_space<vmem_shared>>) target_semaphore(%run_scoped3A : memref<!tpu.dma_semaphore, #tpu.memory_space<semaphore_mem>>)
      %dma_wait3A_35 = arith.constant 0 : i32
      %dma_wait3A_36 = tpu.memref_slice %arg7[%mul3A_2, %dma_wait3A_35] : memref<10240x128xf32, #tpu.memory_space<vmem_shared>> -> memref<640x128xf32, #tpu.memory_space<vmem_shared>>
      %dma_wait3A_37 = arith.constant 0 : i32
      %dma_wait3A_38 = tpu.memref_slice %arg5[%mul3A_2, %dma_wait3A_37] : memref<10240x128xf32, #tpu.memory_space<hbm>> -> memref<640x128xf32, #tpu.memory_space<hbm>>
      tpu.wait_dma2 semaphore(%run_scoped3A : memref<!tpu.dma_semaphore, #tpu.memory_space<semaphore_mem>>) src(%dma_wait3A_38 : memref<640x128xf32, #tpu.memory_space<hbm>>) dst(%dma_wait3A_36 : memref<640x128xf32, #tpu.memory_space<vmem_shared>>)
      tpu.yield
    }) : () -> ()
    %barrier3A = arith.constant 0 : index
    tpu.barrier barrier_id(%barrier3A)
    %mul3A_3 = arith.constant 10000 : i32
    %mul3A_4 = arith.muli %add3A, %mul3A_3 : i32
    %scan3A = arith.constant 0 : i32
    %scan3A_5 = arith.constant 0 : i32
    %scan3A_6 = arith.constant 31 : i32
    %scan3A_7 = arith.addi %scan3A_5, %scan3A_6 : i32
    %scan3A_8 = arith.constant 1 : i32
    scf.for %scan3A_31 = %scan3A_5 to %scan3A_7 step %scan3A_8  : i32 {
      %mul3A_32 = arith.constant 320 : i32
      %mul3A_33 = arith.muli %scan3A_31, %mul3A_32 : i32
      %add3A_34 = arith.addi %mul3A_4, %mul3A_33 : i32
      %add3A_35 = arith.constant 0 : i32
      %add3A_36 = arith.addi %add3A_34, %add3A_35 : i32
      %dma_start3A_37 = tpu.memref_slice %arg4[%add3A_36] : memref<320000xi32, #tpu.memory_space<hbm>> -> memref<80xi32, #tpu.memory_space<hbm>>
      %dma_start3A_38 = tpu.memref_slice %arg4[%add3A_36] : memref<320000xi32, #tpu.memory_space<hbm>> -> memref<80xi32, #tpu.memory_space<hbm>>
      tpu.enqueue_dma source(%dma_start3A_38 : memref<80xi32, #tpu.memory_space<hbm>>) target(%arg12 : memref<80xi32, #tpu.memory_space<vmem>>) target_semaphore(%arg20 : memref<!tpu.dma_semaphore, #tpu.memory_space<semaphore_mem>>)
      %dma_start3A_39 = arith.constant 0 : i32
      %dma_start3A_40 = tpu.memref_slice %arg2[%add3A_36, %dma_start3A_39] : memref<320000x128xf32, #tpu.memory_space<hbm>> -> memref<80x128xf32, #tpu.memory_space<hbm>>
      %dma_start3A_41 = arith.constant 0 : i32
      %dma_start3A_42 = tpu.memref_slice %arg2[%add3A_36, %dma_start3A_41] : memref<320000x128xf32, #tpu.memory_space<hbm>> -> memref<80x128xf32, #tpu.memory_space<hbm>>
      tpu.enqueue_dma source(%dma_start3A_42 : memref<80x128xf32, #tpu.memory_space<hbm>>) target(%arg16 : memref<80x128xf32, #tpu.memory_space<vmem>>) target_semaphore(%arg21 : memref<!tpu.dma_semaphore, #tpu.memory_space<semaphore_mem>>)
      %add3A_43 = arith.constant 80 : i32
      %add3A_44 = arith.addi %add3A_34, %add3A_43 : i32
      %dma_start3A_45 = tpu.memref_slice %arg4[%add3A_44] : memref<320000xi32, #tpu.memory_space<hbm>> -> memref<80xi32, #tpu.memory_space<hbm>>
      %dma_start3A_46 = tpu.memref_slice %arg4[%add3A_44] : memref<320000xi32, #tpu.memory_space<hbm>> -> memref<80xi32, #tpu.memory_space<hbm>>
      tpu.enqueue_dma source(%dma_start3A_46 : memref<80xi32, #tpu.memory_space<hbm>>) target(%arg13 : memref<80xi32, #tpu.memory_space<vmem>>) target_semaphore(%arg20 : memref<!tpu.dma_semaphore, #tpu.memory_space<semaphore_mem>>)
      %dma_start3A_47 = arith.constant 0 : i32
      %dma_start3A_48 = tpu.memref_slice %arg2[%add3A_44, %dma_start3A_47] : memref<320000x128xf32, #tpu.memory_space<hbm>> -> memref<80x128xf32, #tpu.memory_space<hbm>>
      %dma_start3A_49 = arith.constant 0 : i32
      %dma_start3A_50 = tpu.memref_slice %arg2[%add3A_44, %dma_start3A_49] : memref<320000x128xf32, #tpu.memory_space<hbm>> -> memref<80x128xf32, #tpu.memory_space<hbm>>
      tpu.enqueue_dma source(%dma_start3A_50 : memref<80x128xf32, #tpu.memory_space<hbm>>) target(%arg17 : memref<80x128xf32, #tpu.memory_space<vmem>>) target_semaphore(%arg21 : memref<!tpu.dma_semaphore, #tpu.memory_space<semaphore_mem>>)
      %add3A_51 = arith.constant 160 : i32
      %add3A_52 = arith.addi %add3A_34, %add3A_51 : i32
      %dma_start3A_53 = tpu.memref_slice %arg4[%add3A_52] : memref<320000xi32, #tpu.memory_space<hbm>> -> memref<80xi32, #tpu.memory_space<hbm>>
      %dma_start3A_54 = tpu.memref_slice %arg4[%add3A_52] : memref<320000xi32, #tpu.memory_space<hbm>> -> memref<80xi32, #tpu.memory_space<hbm>>
      tpu.enqueue_dma source(%dma_start3A_54 : memref<80xi32, #tpu.memory_space<hbm>>) target(%arg14 : memref<80xi32, #tpu.memory_space<vmem>>) target_semaphore(%arg20 : memref<!tpu.dma_semaphore, #tpu.memory_space<semaphore_mem>>)
      %dma_start3A_55 = arith.constant 0 : i32
      %dma_start3A_56 = tpu.memref_slice %arg2[%add3A_52, %dma_start3A_55] : memref<320000x128xf32, #tpu.memory_space<hbm>> -> memref<80x128xf32, #tpu.memory_space<hbm>>
      %dma_start3A_57 = arith.constant 0 : i32
      %dma_start3A_58 = tpu.memref_slice %arg2[%add3A_52, %dma_start3A_57] : memref<320000x128xf32, #tpu.memory_space<hbm>> -> memref<80x128xf32, #tpu.memory_space<hbm>>
      tpu.enqueue_dma source(%dma_start3A_58 : memref<80x128xf32, #tpu.memory_space<hbm>>) target(%arg18 : memref<80x128xf32, #tpu.memory_space<vmem>>) target_semaphore(%arg21 : memref<!tpu.dma_semaphore, #tpu.memory_space<semaphore_mem>>)
      %add3A_59 = arith.constant 240 : i32
      %add3A_60 = arith.addi %add3A_34, %add3A_59 : i32
      %dma_start3A_61 = tpu.memref_slice %arg4[%add3A_60] : memref<320000xi32, #tpu.memory_space<hbm>> -> memref<80xi32, #tpu.memory_space<hbm>>
      %dma_start3A_62 = tpu.memref_slice %arg4[%add3A_60] : memref<320000xi32, #tpu.memory_space<hbm>> -> memref<80xi32, #tpu.memory_space<hbm>>
      tpu.enqueue_dma source(%dma_start3A_62 : memref<80xi32, #tpu.memory_space<hbm>>) target(%arg15 : memref<80xi32, #tpu.memory_space<vmem>>) target_semaphore(%arg20 : memref<!tpu.dma_semaphore, #tpu.memory_space<semaphore_mem>>)
      %dma_start3A_63 = arith.constant 0 : i32
      %dma_start3A_64 = tpu.memref_slice %arg2[%add3A_60, %dma_start3A_63] : memref<320000x128xf32, #tpu.memory_space<hbm>> -> memref<80x128xf32, #tpu.memory_space<hbm>>
      %dma_start3A_65 = arith.constant 0 : i32
      %dma_start3A_66 = tpu.memref_slice %arg2[%add3A_60, %dma_start3A_65] : memref<320000x128xf32, #tpu.memory_space<hbm>> -> memref<80x128xf32, #tpu.memory_space<hbm>>
      tpu.enqueue_dma source(%dma_start3A_66 : memref<80x128xf32, #tpu.memory_space<hbm>>) target(%arg19 : memref<80x128xf32, #tpu.memory_space<vmem>>) target_semaphore(%arg21 : memref<!tpu.dma_semaphore, #tpu.memory_space<semaphore_mem>>)
      %dma_wait3A_67 = tpu.memref_slice %arg4[%add3A_36] : memref<320000xi32, #tpu.memory_space<hbm>> -> memref<80xi32, #tpu.memory_space<hbm>>
      %dma_wait3A_68 = tpu.memref_slice %arg4[%add3A_36] : memref<320000xi32, #tpu.memory_space<hbm>> -> memref<80xi32, #tpu.memory_space<hbm>>
      tpu.wait_dma2 semaphore(%arg20 : memref<!tpu.dma_semaphore, #tpu.memory_space<semaphore_mem>>) src(%dma_wait3A_68 : memref<80xi32, #tpu.memory_space<hbm>>) dst(%arg12 : memref<80xi32, #tpu.memory_space<vmem>>)
      %dma_wait3A_69 = arith.constant 0 : i32
      %dma_wait3A_70 = tpu.memref_slice %arg2[%add3A_36, %dma_wait3A_69] : memref<320000x128xf32, #tpu.memory_space<hbm>> -> memref<80x128xf32, #tpu.memory_space<hbm>>
      %dma_wait3A_71 = arith.constant 0 : i32
      %dma_wait3A_72 = tpu.memref_slice %arg2[%add3A_36, %dma_wait3A_71] : memref<320000x128xf32, #tpu.memory_space<hbm>> -> memref<80x128xf32, #tpu.memory_space<hbm>>
      tpu.wait_dma2 semaphore(%arg21 : memref<!tpu.dma_semaphore, #tpu.memory_space<semaphore_mem>>) src(%dma_wait3A_72 : memref<80x128xf32, #tpu.memory_space<hbm>>) dst(%arg16 : memref<80x128xf32, #tpu.memory_space<vmem>>)
      %dma_start3A_73 = arith.constant 0 : i32
      %dma_start3A_74 = arith.constant 0 : i32
      %dma_start3A_75 = tpu.memref_slice %arg7[%dma_start3A_73, %dma_start3A_74] : memref<10240x128xf32, #tpu.memory_space<vmem_shared>> -> memref<10240x128xf32, #tpu.memory_space<vmem_shared>>
      tpu.enqueue_indirect_dma source(%arg16 : memref<80x128xf32, #tpu.memory_space<vmem>>) target(%dma_start3A_75 : memref<10240x128xf32, #tpu.memory_space<vmem_shared>>) offsets(%arg12 : memref<80xi32, #tpu.memory_space<vmem>>) semaphore(%arg22 : memref<!tpu.dma_semaphore, #tpu.memory_space<semaphore_mem>>) {add = true}
      %dma_wait3A_76 = tpu.memref_slice %arg4[%add3A_44] : memref<320000xi32, #tpu.memory_space<hbm>> -> memref<80xi32, #tpu.memory_space<hbm>>
      %dma_wait3A_77 = tpu.memref_slice %arg4[%add3A_44] : memref<320000xi32, #tpu.memory_space<hbm>> -> memref<80xi32, #tpu.memory_space<hbm>>
      tpu.wait_dma2 semaphore(%arg20 : memref<!tpu.dma_semaphore, #tpu.memory_space<semaphore_mem>>) src(%dma_wait3A_77 : memref<80xi32, #tpu.memory_space<hbm>>) dst(%arg13 : memref<80xi32, #tpu.memory_space<vmem>>)
      %dma_wait3A_78 = arith.constant 0 : i32
      %dma_wait3A_79 = tpu.memref_slice %arg2[%add3A_44, %dma_wait3A_78] : memref<320000x128xf32, #tpu.memory_space<hbm>> -> memref<80x128xf32, #tpu.memory_space<hbm>>
      %dma_wait3A_80 = arith.constant 0 : i32
      %dma_wait3A_81 = tpu.memref_slice %arg2[%add3A_44, %dma_wait3A_80] : memref<320000x128xf32, #tpu.memory_space<hbm>> -> memref<80x128xf32, #tpu.memory_space<hbm>>
      tpu.wait_dma2 semaphore(%arg21 : memref<!tpu.dma_semaphore, #tpu.memory_space<semaphore_mem>>) src(%dma_wait3A_81 : memref<80x128xf32, #tpu.memory_space<hbm>>) dst(%arg17 : memref<80x128xf32, #tpu.memory_space<vmem>>)
      %dma_start3A_82 = arith.constant 0 : i32
      %dma_start3A_83 = arith.constant 0 : i32
      %dma_start3A_84 = tpu.memref_slice %arg7[%dma_start3A_82, %dma_start3A_83] : memref<10240x128xf32, #tpu.memory_space<vmem_shared>> -> memref<10240x128xf32, #tpu.memory_space<vmem_shared>>
      tpu.enqueue_indirect_dma source(%arg17 : memref<80x128xf32, #tpu.memory_space<vmem>>) target(%dma_start3A_84 : memref<10240x128xf32, #tpu.memory_space<vmem_shared>>) offsets(%arg13 : memref<80xi32, #tpu.memory_space<vmem>>) semaphore(%arg22 : memref<!tpu.dma_semaphore, #tpu.memory_space<semaphore_mem>>) {add = true}
      %dma_wait3A_85 = tpu.memref_slice %arg4[%add3A_52] : memref<320000xi32, #tpu.memory_space<hbm>> -> memref<80xi32, #tpu.memory_space<hbm>>
      %dma_wait3A_86 = tpu.memref_slice %arg4[%add3A_52] : memref<320000xi32, #tpu.memory_space<hbm>> -> memref<80xi32, #tpu.memory_space<hbm>>
      tpu.wait_dma2 semaphore(%arg20 : memref<!tpu.dma_semaphore, #tpu.memory_space<semaphore_mem>>) src(%dma_wait3A_86 : memref<80xi32, #tpu.memory_space<hbm>>) dst(%arg14 : memref<80xi32, #tpu.memory_space<vmem>>)
      %dma_wait3A_87 = arith.constant 0 : i32
      %dma_wait3A_88 = tpu.memref_slice %arg2[%add3A_52, %dma_wait3A_87] : memref<320000x128xf32, #tpu.memory_space<hbm>> -> memref<80x128xf32, #tpu.memory_space<hbm>>
      %dma_wait3A_89 = arith.constant 0 : i32
      %dma_wait3A_90 = tpu.memref_slice %arg2[%add3A_52, %dma_wait3A_89] : memref<320000x128xf32, #tpu.memory_space<hbm>> -> memref<80x128xf32, #tpu.memory_space<hbm>>
      tpu.wait_dma2 semaphore(%arg21 : memref<!tpu.dma_semaphore, #tpu.memory_space<semaphore_mem>>) src(%dma_wait3A_90 : memref<80x128xf32, #tpu.memory_space<hbm>>) dst(%arg18 : memref<80x128xf32, #tpu.memory_space<vmem>>)
      %dma_start3A_91 = arith.constant 0 : i32
      %dma_start3A_92 = arith.constant 0 : i32
      %dma_start3A_93 = tpu.memref_slice %arg7[%dma_start3A_91, %dma_start3A_92] : memref<10240x128xf32, #tpu.memory_space<vmem_shared>> -> memref<10240x128xf32, #tpu.memory_space<vmem_shared>>
      tpu.enqueue_indirect_dma source(%arg18 : memref<80x128xf32, #tpu.memory_space<vmem>>) target(%dma_start3A_93 : memref<10240x128xf32, #tpu.memory_space<vmem_shared>>) offsets(%arg14 : memref<80xi32, #tpu.memory_space<vmem>>) semaphore(%arg22 : memref<!tpu.dma_semaphore, #tpu.memory_space<semaphore_mem>>) {add = true}
      %dma_wait3A_94 = tpu.memref_slice %arg4[%add3A_60] : memref<320000xi32, #tpu.memory_space<hbm>> -> memref<80xi32, #tpu.memory_space<hbm>>
      %dma_wait3A_95 = tpu.memref_slice %arg4[%add3A_60] : memref<320000xi32, #tpu.memory_space<hbm>> -> memref<80xi32, #tpu.memory_space<hbm>>
      tpu.wait_dma2 semaphore(%arg20 : memref<!tpu.dma_semaphore, #tpu.memory_space<semaphore_mem>>) src(%dma_wait3A_95 : memref<80xi32, #tpu.memory_space<hbm>>) dst(%arg15 : memref<80xi32, #tpu.memory_space<vmem>>)
      %dma_wait3A_96 = arith.constant 0 : i32
      %dma_wait3A_97 = tpu.memref_slice %arg2[%add3A_60, %dma_wait3A_96] : memref<320000x128xf32, #tpu.memory_space<hbm>> -> memref<80x128xf32, #tpu.memory_space<hbm>>
      %dma_wait3A_98 = arith.constant 0 : i32
      %dma_wait3A_99 = tpu.memref_slice %arg2[%add3A_60, %dma_wait3A_98] : memref<320000x128xf32, #tpu.memory_space<hbm>> -> memref<80x128xf32, #tpu.memory_space<hbm>>
      tpu.wait_dma2 semaphore(%arg21 : memref<!tpu.dma_semaphore, #tpu.memory_space<semaphore_mem>>) src(%dma_wait3A_99 : memref<80x128xf32, #tpu.memory_space<hbm>>) dst(%arg19 : memref<80x128xf32, #tpu.memory_space<vmem>>)
      %dma_start3A_100 = arith.constant 0 : i32
      %dma_start3A_101 = arith.constant 0 : i32
      %dma_start3A_102 = tpu.memref_slice %arg7[%dma_start3A_100, %dma_start3A_101] : memref<10240x128xf32, #tpu.memory_space<vmem_shared>> -> memref<10240x128xf32, #tpu.memory_space<vmem_shared>>
      tpu.enqueue_indirect_dma source(%arg19 : memref<80x128xf32, #tpu.memory_space<vmem>>) target(%dma_start3A_102 : memref<10240x128xf32, #tpu.memory_space<vmem_shared>>) offsets(%arg15 : memref<80xi32, #tpu.memory_space<vmem>>) semaphore(%arg22 : memref<!tpu.dma_semaphore, #tpu.memory_space<semaphore_mem>>) {add = true}
      %dma_wait3A_103 = arith.constant 0 : i32
      %dma_wait3A_104 = arith.constant 0 : i32
      %dma_wait3A_105 = tpu.memref_slice %arg7[%dma_wait3A_103, %dma_wait3A_104] : memref<10240x128xf32, #tpu.memory_space<vmem_shared>> -> memref<10240x128xf32, #tpu.memory_space<vmem_shared>>
      tpu.wait_indirect_dma semaphore(%arg22 : memref<!tpu.dma_semaphore, #tpu.memory_space<semaphore_mem>>) src(%arg16 : memref<80x128xf32, #tpu.memory_space<vmem>>) dst(%dma_wait3A_105 : memref<10240x128xf32, #tpu.memory_space<vmem_shared>>)
      %dma_wait3A_106 = arith.constant 0 : i32
      %dma_wait3A_107 = arith.constant 0 : i32
      %dma_wait3A_108 = tpu.memref_slice %arg7[%dma_wait3A_106, %dma_wait3A_107] : memref<10240x128xf32, #tpu.memory_space<vmem_shared>> -> memref<10240x128xf32, #tpu.memory_space<vmem_shared>>
      tpu.wait_indirect_dma semaphore(%arg22 : memref<!tpu.dma_semaphore, #tpu.memory_space<semaphore_mem>>) src(%arg17 : memref<80x128xf32, #tpu.memory_space<vmem>>) dst(%dma_wait3A_108 : memref<10240x128xf32, #tpu.memory_space<vmem_shared>>)
      %dma_wait3A_109 = arith.constant 0 : i32
      %dma_wait3A_110 = arith.constant 0 : i32
      %dma_wait3A_111 = tpu.memref_slice %arg7[%dma_wait3A_109, %dma_wait3A_110] : memref<10240x128xf32, #tpu.memory_space<vmem_shared>> -> memref<10240x128xf32, #tpu.memory_space<vmem_shared>>
      tpu.wait_indirect_dma semaphore(%arg22 : memref<!tpu.dma_semaphore, #tpu.memory_space<semaphore_mem>>) src(%arg18 : memref<80x128xf32, #tpu.memory_space<vmem>>) dst(%dma_wait3A_111 : memref<10240x128xf32, #tpu.memory_space<vmem_shared>>)
      %dma_wait3A_112 = arith.constant 0 : i32
      %dma_wait3A_113 = arith.constant 0 : i32
      %dma_wait3A_114 = tpu.memref_slice %arg7[%dma_wait3A_112, %dma_wait3A_113] : memref<10240x128xf32, #tpu.memory_space<vmem_shared>> -> memref<10240x128xf32, #tpu.memory_space<vmem_shared>>
      tpu.wait_indirect_dma semaphore(%arg22 : memref<!tpu.dma_semaphore, #tpu.memory_space<semaphore_mem>>) src(%arg19 : memref<80x128xf32, #tpu.memory_space<vmem>>) dst(%dma_wait3A_114 : memref<10240x128xf32, #tpu.memory_space<vmem_shared>>)
    }
    %scan3A_9 = arith.constant 31 : i32
    %add3A_10 = arith.constant 9920 : i32
    %add3A_11 = arith.addi %mul3A_4, %add3A_10 : i32
    %add3A_12 = arith.constant 0 : i32
    %add3A_13 = arith.addi %add3A_11, %add3A_12 : i32
    %dma_start3A = tpu.memref_slice %arg4[%add3A_13] : memref<320000xi32, #tpu.memory_space<hbm>> -> memref<80xi32, #tpu.memory_space<hbm>>
    %dma_start3A_14 = tpu.memref_slice %arg4[%add3A_13] : memref<320000xi32, #tpu.memory_space<hbm>> -> memref<80xi32, #tpu.memory_space<hbm>>
    tpu.enqueue_dma source(%dma_start3A_14 : memref<80xi32, #tpu.memory_space<hbm>>) target(%arg12 : memref<80xi32, #tpu.memory_space<vmem>>) target_semaphore(%arg20 : memref<!tpu.dma_semaphore, #tpu.memory_space<semaphore_mem>>)
    %dma_start3A_15 = arith.constant 0 : i32
    %dma_start3A_16 = tpu.memref_slice %arg2[%add3A_13, %dma_start3A_15] : memref<320000x128xf32, #tpu.memory_space<hbm>> -> memref<80x128xf32, #tpu.memory_space<hbm>>
    %dma_start3A_17 = arith.constant 0 : i32
    %dma_start3A_18 = tpu.memref_slice %arg2[%add3A_13, %dma_start3A_17] : memref<320000x128xf32, #tpu.memory_space<hbm>> -> memref<80x128xf32, #tpu.memory_space<hbm>>
    tpu.enqueue_dma source(%dma_start3A_18 : memref<80x128xf32, #tpu.memory_space<hbm>>) target(%arg16 : memref<80x128xf32, #tpu.memory_space<vmem>>) target_semaphore(%arg21 : memref<!tpu.dma_semaphore, #tpu.memory_space<semaphore_mem>>)
    %dma_wait3A = tpu.memref_slice %arg4[%add3A_13] : memref<320000xi32, #tpu.memory_space<hbm>> -> memref<80xi32, #tpu.memory_space<hbm>>
    %dma_wait3A_19 = tpu.memref_slice %arg4[%add3A_13] : memref<320000xi32, #tpu.memory_space<hbm>> -> memref<80xi32, #tpu.memory_space<hbm>>
    tpu.wait_dma2 semaphore(%arg20 : memref<!tpu.dma_semaphore, #tpu.memory_space<semaphore_mem>>) src(%dma_wait3A_19 : memref<80xi32, #tpu.memory_space<hbm>>) dst(%arg12 : memref<80xi32, #tpu.memory_space<vmem>>)
    %dma_wait3A_20 = arith.constant 0 : i32
    %dma_wait3A_21 = tpu.memref_slice %arg2[%add3A_13, %dma_wait3A_20] : memref<320000x128xf32, #tpu.memory_space<hbm>> -> memref<80x128xf32, #tpu.memory_space<hbm>>
    %dma_wait3A_22 = arith.constant 0 : i32
    %dma_wait3A_23 = tpu.memref_slice %arg2[%add3A_13, %dma_wait3A_22] : memref<320000x128xf32, #tpu.memory_space<hbm>> -> memref<80x128xf32, #tpu.memory_space<hbm>>
    tpu.wait_dma2 semaphore(%arg21 : memref<!tpu.dma_semaphore, #tpu.memory_space<semaphore_mem>>) src(%dma_wait3A_23 : memref<80x128xf32, #tpu.memory_space<hbm>>) dst(%arg16 : memref<80x128xf32, #tpu.memory_space<vmem>>)
    %dma_start3A_24 = arith.constant 0 : i32
    %dma_start3A_25 = arith.constant 0 : i32
    %dma_start3A_26 = tpu.memref_slice %arg7[%dma_start3A_24, %dma_start3A_25] : memref<10240x128xf32, #tpu.memory_space<vmem_shared>> -> memref<10240x128xf32, #tpu.memory_space<vmem_shared>>
    tpu.enqueue_indirect_dma source(%arg16 : memref<80x128xf32, #tpu.memory_space<vmem>>) target(%dma_start3A_26 : memref<10240x128xf32, #tpu.memory_space<vmem_shared>>) offsets(%arg12 : memref<80xi32, #tpu.memory_space<vmem>>) semaphore(%arg22 : memref<!tpu.dma_semaphore, #tpu.memory_space<semaphore_mem>>) {add = true}
    %dma_wait3A_27 = arith.constant 0 : i32
    %dma_wait3A_28 = arith.constant 0 : i32
    %dma_wait3A_29 = tpu.memref_slice %arg7[%dma_wait3A_27, %dma_wait3A_28] : memref<10240x128xf32, #tpu.memory_space<vmem_shared>> -> memref<10240x128xf32, #tpu.memory_space<vmem_shared>>
    tpu.wait_indirect_dma semaphore(%arg22 : memref<!tpu.dma_semaphore, #tpu.memory_space<semaphore_mem>>) src(%arg16 : memref<80x128xf32, #tpu.memory_space<vmem>>) dst(%dma_wait3A_29 : memref<10240x128xf32, #tpu.memory_space<vmem_shared>>)
    %barrier3A_30 = arith.constant 0 : index
    tpu.barrier barrier_id(%barrier3A_30)
    "tpu.region"() ({
      %run_scoped3A = tpu.sem_alloc : memref<!tpu.dma_semaphore, #tpu.memory_space<semaphore_mem>>
      %dma_start3A_31 = arith.constant 0 : i32
      %dma_start3A_32 = tpu.memref_slice %arg6[%arg0, %mul3A_2, %dma_start3A_31] : memref<2x10240x128xf32, #tpu.memory_space<hbm>> -> memref<1x640x128xf32, #tpu.memory_space<hbm>>
      %dma_start3A_33 = tpu.memref_squeeze %dma_start3A_32 : memref<1x640x128xf32, #tpu.memory_space<hbm>> -> memref<640x128xf32, #tpu.memory_space<hbm>>
      %dma_start3A_34 = arith.constant 0 : i32
      %dma_start3A_35 = tpu.memref_slice %arg7[%mul3A_2, %dma_start3A_34] : memref<10240x128xf32, #tpu.memory_space<vmem_shared>> -> memref<640x128xf32, #tpu.memory_space<vmem_shared>>
      tpu.enqueue_dma source(%dma_start3A_35 : memref<640x128xf32, #tpu.memory_space<vmem_shared>>) target(%dma_start3A_33 : memref<640x128xf32, #tpu.memory_space<hbm>>) target_semaphore(%run_scoped3A : memref<!tpu.dma_semaphore, #tpu.memory_space<semaphore_mem>>)
      %dma_wait3A_36 = arith.constant 0 : i32
      %dma_wait3A_37 = tpu.memref_slice %arg6[%arg0, %mul3A_2, %dma_wait3A_36] : memref<2x10240x128xf32, #tpu.memory_space<hbm>> -> memref<1x640x128xf32, #tpu.memory_space<hbm>>
      %dma_wait3A_38 = tpu.memref_squeeze %dma_wait3A_37 : memref<1x640x128xf32, #tpu.memory_space<hbm>> -> memref<640x128xf32, #tpu.memory_space<hbm>>
      %dma_wait3A_39 = arith.constant 0 : i32
      %dma_wait3A_40 = tpu.memref_slice %arg7[%mul3A_2, %dma_wait3A_39] : memref<10240x128xf32, #tpu.memory_space<vmem_shared>> -> memref<640x128xf32, #tpu.memory_space<vmem_shared>>
      tpu.wait_dma2 semaphore(%run_scoped3A : memref<!tpu.dma_semaphore, #tpu.memory_space<semaphore_mem>>) src(%dma_wait3A_40 : memref<640x128xf32, #tpu.memory_space<vmem_shared>>) dst(%dma_wait3A_38 : memref<640x128xf32, #tpu.memory_space<hbm>>)
      tpu.yield
    }) : () -> ()
    return
  }
}

module attributes {stable_mosaic.version = 14 : i64} {
  func.func @_tc_dense_body(%arg0: i32, %arg1: memref<2x1000x128xf32, #tpu.memory_space<vmem>>, %arg2: memref<2x1000x128xf32, #tpu.memory_space<vmem>>, %arg3: memref<1000x128xf32, #tpu.memory_space<vmem>>, %arg4: memref<128x16xf32, #tpu.memory_space<vmem>>, %arg5: memref<128x128xf32, #tpu.memory_space<vmem>>, %arg6: memref<128x128xf32, #tpu.memory_space<vmem>>, %arg7: memref<1x128xf32, #tpu.memory_space<vmem>>, %arg8: memref<1000x128xf32, #tpu.memory_space<vmem>>) attributes {dimension_semantics = [#tpu.dimension_semantics<arbitrary>], iteration_bounds = array<i64: 10>, scalar_prefetch = 0 : i64, scratch_operands = 0 : i64, tpu.core_type = #tpu.core_type<tc>, window_params = [{transform_indices = @transform_0, window_bounds = array<i64: 2, 1000, 128>}, {transform_indices = @transform_1, window_bounds = array<i64: 2, 1000, 128>}, {transform_indices = @transform_2, window_bounds = array<i64: 1000, 128>}, {pipeline_mode = #tpu.pipeline_mode<synchronous>, transform_indices = @transform_3, window_bounds = array<i64: 128, 16>}, {pipeline_mode = #tpu.pipeline_mode<synchronous>, transform_indices = @transform_4, window_bounds = array<i64: 128, 128>}, {pipeline_mode = #tpu.pipeline_mode<synchronous>, transform_indices = @transform_5, window_bounds = array<i64: 128, 128>}, {pipeline_mode = #tpu.pipeline_mode<synchronous>, transform_indices = @transform_6, window_bounds = array<i64: 1, 128>}, {transform_indices = @transform_7, window_bounds = array<i64: 1000, 128>}]} {
    %get3A = arith.constant 0 : index
    %get3A_0 = arith.constant 0 : index
    %get3A_1 = arith.constant 0 : index
    %get3A_2 = vector.load %arg1[%get3A, %get3A_0, %get3A_1] : memref<2x1000x128xf32, #tpu.memory_space<vmem>>, vector<1x1000x128xf32>
    %get3A_3 = vector.shape_cast %get3A_2 : vector<1x1000x128xf32> to vector<1000x128xf32>
    %get3A_4 = arith.constant 1 : index
    %get3A_5 = arith.constant 0 : index
    %get3A_6 = arith.constant 0 : index
    %get3A_7 = vector.load %arg1[%get3A_4, %get3A_5, %get3A_6] : memref<2x1000x128xf32, #tpu.memory_space<vmem>>, vector<1x1000x128xf32>
    %get3A_8 = vector.shape_cast %get3A_7 : vector<1x1000x128xf32> to vector<1000x128xf32>
    %add3A = arith.addf %get3A_3, %get3A_8 : vector<1000x128xf32>
    %get3A_9 = arith.constant 0 : index
    %get3A_10 = arith.constant 0 : index
    %get3A_11 = arith.constant 0 : index
    %get3A_12 = vector.load %arg2[%get3A_9, %get3A_10, %get3A_11] : memref<2x1000x128xf32, #tpu.memory_space<vmem>>, vector<1x1000x128xf32>
    %get3A_13 = vector.shape_cast %get3A_12 : vector<1x1000x128xf32> to vector<1000x128xf32>
    %get3A_14 = arith.constant 1 : index
    %get3A_15 = arith.constant 0 : index
    %get3A_16 = arith.constant 0 : index
    %get3A_17 = vector.load %arg2[%get3A_14, %get3A_15, %get3A_16] : memref<2x1000x128xf32, #tpu.memory_space<vmem>>, vector<1x1000x128xf32>
    %get3A_18 = vector.shape_cast %get3A_17 : vector<1x1000x128xf32> to vector<1000x128xf32>
    %add3A_19 = arith.addf %get3A_13, %get3A_18 : vector<1000x128xf32>
    %slice3A = vector.extract_strided_slice %add3A_19 {offsets = [0, 0], sizes = [1000, 16], strides = [1, 1]} : vector<1000x128xf32> to vector<1000x16xf32>
    %slice3A_20 = vector.extract_strided_slice %add3A_19 {offsets = [0, 16], sizes = [1000, 1], strides = [1, 1]} : vector<1000x128xf32> to vector<1000x1xf32>
    %max3A = arith.constant 1.000000e+00 : f32
    %max3A_21 = vector.broadcast %max3A : f32 to vector<1000x1xf32>
    %max3A_22 = arith.maximumf %slice3A_20, %max3A_21 : vector<1000x1xf32>
    %div3A = arith.constant 1.000000e+00 : f32
    %div3A_23 = vector.broadcast %div3A : f32 to vector<1000x1xf32>
    %div3A_24 = arith.divf %div3A_23, %max3A_22 : vector<1000x1xf32>
    %get3A_25 = arith.constant 0 : index
    %get3A_26 = arith.constant 0 : index
    %get3A_27 = vector.load %arg4[%get3A_25, %get3A_26] : memref<128x16xf32, #tpu.memory_space<vmem>>, vector<128x16xf32>
    %dot_general3A = arith.constant dense<0.000000e+00> : vector<1000x128xf32>
    %dot_general3A_28 = tpu.matmul %slice3A, %get3A_27, %dot_general3A {dimension_numbers = #tpu.dot_dimension_numbers<[1], [1], [0], [0], [0, 0, 1, 0], [], []>, transpose_lhs_hint = false} : vector<1000x16xf32>, vector<128x16xf32>, vector<1000x128xf32> -> vector<1000x128xf32>
    %add3A_29 = arith.addf %add3A, %dot_general3A_28 : vector<1000x128xf32>
    %mul3A = vector.broadcast %div3A_24 : vector<1000x1xf32> to vector<1000x128xf32>
    %mul3A_30 = arith.mulf %add3A_29, %mul3A : vector<1000x128xf32>
    %get3A_31 = arith.constant 0 : index
    %get3A_32 = arith.constant 0 : index
    %get3A_33 = vector.load %arg5[%get3A_31, %get3A_32] : memref<128x128xf32, #tpu.memory_space<vmem>>, vector<128x128xf32>
    %dot_general3A_34 = arith.constant dense<0.000000e+00> : vector<1000x128xf32>
    %dot_general3A_35 = tpu.matmul %mul3A_30, %get3A_33, %dot_general3A_34 {dimension_numbers = #tpu.dot_dimension_numbers<[1], [1], [0], [0], [0, 0, 1, 0], [], []>, transpose_lhs_hint = false} : vector<1000x128xf32>, vector<128x128xf32>, vector<1000x128xf32> -> vector<1000x128xf32>
    %get3A_36 = arith.constant 0 : index
    %get3A_37 = arith.constant 0 : index
    %get3A_38 = vector.load %arg3[%get3A_36, %get3A_37] : memref<1000x128xf32, #tpu.memory_space<vmem>>, vector<1000x128xf32>
    %get3A_39 = arith.constant 0 : index
    %get3A_40 = arith.constant 0 : index
    %get3A_41 = vector.load %arg6[%get3A_39, %get3A_40] : memref<128x128xf32, #tpu.memory_space<vmem>>, vector<128x128xf32>
    %dot_general3A_42 = arith.constant dense<0.000000e+00> : vector<1000x128xf32>
    %dot_general3A_43 = tpu.matmul %get3A_38, %get3A_41, %dot_general3A_42 {dimension_numbers = #tpu.dot_dimension_numbers<[1], [1], [0], [0], [0, 0, 1, 0], [], []>, transpose_lhs_hint = false} : vector<1000x128xf32>, vector<128x128xf32>, vector<1000x128xf32> -> vector<1000x128xf32>
    %add3A_44 = arith.addf %dot_general3A_35, %dot_general3A_43 : vector<1000x128xf32>
    %get3A_45 = arith.constant 0 : index
    %get3A_46 = arith.constant 0 : index
    %get3A_47 = vector.load %arg7[%get3A_45, %get3A_46] : memref<1x128xf32, #tpu.memory_space<vmem>>, vector<1x128xf32>
    %add3A_48 = vector.broadcast %get3A_47 : vector<1x128xf32> to vector<1000x128xf32>
    %add3A_49 = arith.addf %add3A_44, %add3A_48 : vector<1000x128xf32>
    %max3A_50 = arith.constant 0.000000e+00 : f32
    %max3A_51 = vector.broadcast %max3A_50 : f32 to vector<1000x128xf32>
    %max3A_52 = arith.maximumf %add3A_49, %max3A_51 : vector<1000x128xf32>
    %swap3A = arith.constant 0 : index
    %swap3A_53 = arith.constant 0 : index
    %swap3A_54 = vector.load %arg8[%swap3A, %swap3A_53] : memref<1000x128xf32, #tpu.memory_space<vmem>>, vector<1000x128xf32>
    tpu.vector_store %arg8[%swap3A, %swap3A_53], %max3A_52 {strides = array<i32>} : memref<1000x128xf32, #tpu.memory_space<vmem>>, vector<1000x128xf32>,
    return
  }
  func.func @transform_0(%arg0: i32) -> (i32, i32, i32) {
    %c0_i32 = arith.constant 0 : i32
    %c0_i32_0 = arith.constant 0 : i32
    %c0_i32_1 = arith.constant 0 : i32
    return %c0_i32, %arg0, %c0_i32_0 : i32, i32, i32
  }
  func.func @transform_1(%arg0: i32) -> (i32, i32, i32) {
    %c0_i32 = arith.constant 0 : i32
    %c0_i32_0 = arith.constant 0 : i32
    %c0_i32_1 = arith.constant 0 : i32
    return %c0_i32, %arg0, %c0_i32_0 : i32, i32, i32
  }
  func.func @transform_2(%arg0: i32) -> (i32, i32) {
    %c0_i32 = arith.constant 0 : i32
    %c0_i32_0 = arith.constant 0 : i32
    return %arg0, %c0_i32 : i32, i32
  }
  func.func @transform_3(%arg0: i32) -> (i32, i32) {
    %c0_i32 = arith.constant 0 : i32
    %c0_i32_0 = arith.constant 0 : i32
    %c0_i32_1 = arith.constant 0 : i32
    return %c0_i32, %c0_i32_0 : i32, i32
  }
  func.func @transform_4(%arg0: i32) -> (i32, i32) {
    %c0_i32 = arith.constant 0 : i32
    %c0_i32_0 = arith.constant 0 : i32
    %c0_i32_1 = arith.constant 0 : i32
    return %c0_i32, %c0_i32_0 : i32, i32
  }
  func.func @transform_5(%arg0: i32) -> (i32, i32) {
    %c0_i32 = arith.constant 0 : i32
    %c0_i32_0 = arith.constant 0 : i32
    %c0_i32_1 = arith.constant 0 : i32
    return %c0_i32, %c0_i32_0 : i32, i32
  }
  func.func @transform_6(%arg0: i32) -> (i32, i32) {
    %c0_i32 = arith.constant 0 : i32
    %c0_i32_0 = arith.constant 0 : i32
    %c0_i32_1 = arith.constant 0 : i32
    return %c0_i32, %c0_i32_0 : i32, i32
  }
  func.func @transform_7(%arg0: i32) -> (i32, i32) {
    %c0_i32 = arith.constant 0 : i32
    %c0_i32_0 = arith.constant 0 : i32
    return %arg0, %c0_i32 : i32, i32
  }
}

module attributes {stable_mosaic.version = 14 : i64} {
  func.func @_tc_dense_body(%arg0: i32, %arg1: memref<2x1000x128xf32, #tpu.memory_space<vmem>>, %arg2: memref<2x1000x128xf32, #tpu.memory_space<vmem>>, %arg3: memref<1000x128xf32, #tpu.memory_space<vmem>>, %arg4: memref<128x16xf32, #tpu.memory_space<vmem>>, %arg5: memref<128x128xf32, #tpu.memory_space<vmem>>, %arg6: memref<128x128xf32, #tpu.memory_space<vmem>>, %arg7: memref<1x128xf32, #tpu.memory_space<vmem>>, %arg8: memref<1000x128xf32, #tpu.memory_space<vmem>>) attributes {dimension_semantics = [#tpu.dimension_semantics<arbitrary>], iteration_bounds = array<i64: 10>, scalar_prefetch = 0 : i64, scratch_operands = 0 : i64, tpu.core_type = #tpu.core_type<tc>, window_params = [{transform_indices = @transform_0, window_bounds = array<i64: 2, 1000, 128>}, {transform_indices = @transform_1, window_bounds = array<i64: 2, 1000, 128>}, {transform_indices = @transform_2, window_bounds = array<i64: 1000, 128>}, {pipeline_mode = #tpu.pipeline_mode<synchronous>, transform_indices = @transform_3, window_bounds = array<i64: 128, 16>}, {pipeline_mode = #tpu.pipeline_mode<synchronous>, transform_indices = @transform_4, window_bounds = array<i64: 128, 128>}, {pipeline_mode = #tpu.pipeline_mode<synchronous>, transform_indices = @transform_5, window_bounds = array<i64: 128, 128>}, {pipeline_mode = #tpu.pipeline_mode<synchronous>, transform_indices = @transform_6, window_bounds = array<i64: 1, 128>}, {transform_indices = @transform_7, window_bounds = array<i64: 1000, 128>}]} {
    %get3A = arith.constant 0 : index
    %get3A_0 = arith.constant 0 : index
    %get3A_1 = arith.constant 0 : index
    %get3A_2 = vector.load %arg1[%get3A, %get3A_0, %get3A_1] : memref<2x1000x128xf32, #tpu.memory_space<vmem>>, vector<1x1000x128xf32>
    %get3A_3 = vector.shape_cast %get3A_2 : vector<1x1000x128xf32> to vector<1000x128xf32>
    %get3A_4 = arith.constant 1 : index
    %get3A_5 = arith.constant 0 : index
    %get3A_6 = arith.constant 0 : index
    %get3A_7 = vector.load %arg1[%get3A_4, %get3A_5, %get3A_6] : memref<2x1000x128xf32, #tpu.memory_space<vmem>>, vector<1x1000x128xf32>
    %get3A_8 = vector.shape_cast %get3A_7 : vector<1x1000x128xf32> to vector<1000x128xf32>
    %add3A = arith.addf %get3A_3, %get3A_8 : vector<1000x128xf32>
    %get3A_9 = arith.constant 0 : index
    %get3A_10 = arith.constant 0 : index
    %get3A_11 = arith.constant 0 : index
    %get3A_12 = vector.load %arg2[%get3A_9, %get3A_10, %get3A_11] : memref<2x1000x128xf32, #tpu.memory_space<vmem>>, vector<1x1000x128xf32>
    %get3A_13 = vector.shape_cast %get3A_12 : vector<1x1000x128xf32> to vector<1000x128xf32>
    %get3A_14 = arith.constant 1 : index
    %get3A_15 = arith.constant 0 : index
    %get3A_16 = arith.constant 0 : index
    %get3A_17 = vector.load %arg2[%get3A_14, %get3A_15, %get3A_16] : memref<2x1000x128xf32, #tpu.memory_space<vmem>>, vector<1x1000x128xf32>
    %get3A_18 = vector.shape_cast %get3A_17 : vector<1x1000x128xf32> to vector<1000x128xf32>
    %add3A_19 = arith.addf %get3A_13, %get3A_18 : vector<1000x128xf32>
    %slice3A = vector.extract_strided_slice %add3A_19 {offsets = [0, 0], sizes = [1000, 16], strides = [1, 1]} : vector<1000x128xf32> to vector<1000x16xf32>
    %slice3A_20 = vector.extract_strided_slice %add3A_19 {offsets = [0, 16], sizes = [1000, 1], strides = [1, 1]} : vector<1000x128xf32> to vector<1000x1xf32>
    %max3A = arith.constant 1.000000e+00 : f32
    %max3A_21 = vector.broadcast %max3A : f32 to vector<1000x1xf32>
    %max3A_22 = arith.maximumf %slice3A_20, %max3A_21 : vector<1000x1xf32>
    %div3A = arith.constant 1.000000e+00 : f32
    %div3A_23 = vector.broadcast %div3A : f32 to vector<1000x1xf32>
    %div3A_24 = arith.divf %div3A_23, %max3A_22 : vector<1000x1xf32>
    %get3A_25 = arith.constant 0 : index
    %get3A_26 = arith.constant 0 : index
    %get3A_27 = vector.load %arg4[%get3A_25, %get3A_26] : memref<128x16xf32, #tpu.memory_space<vmem>>, vector<128x16xf32>
    %dot_general3A = arith.constant dense<0.000000e+00> : vector<1000x128xf32>
    %dot_general3A_28 = tpu.matmul %slice3A, %get3A_27, %dot_general3A {dimension_numbers = #tpu.dot_dimension_numbers<[1], [1], [0], [0], [0, 0, 1, 0], [], []>, transpose_lhs_hint = false} : vector<1000x16xf32>, vector<128x16xf32>, vector<1000x128xf32> -> vector<1000x128xf32>
    %add3A_29 = arith.addf %add3A, %dot_general3A_28 : vector<1000x128xf32>
    %mul3A = vector.broadcast %div3A_24 : vector<1000x1xf32> to vector<1000x128xf32>
    %mul3A_30 = arith.mulf %add3A_29, %mul3A : vector<1000x128xf32>
    %get3A_31 = arith.constant 0 : index
    %get3A_32 = arith.constant 0 : index
    %get3A_33 = vector.load %arg5[%get3A_31, %get3A_32] : memref<128x128xf32, #tpu.memory_space<vmem>>, vector<128x128xf32>
    %dot_general3A_34 = arith.constant dense<0.000000e+00> : vector<1000x128xf32>
    %dot_general3A_35 = tpu.matmul %mul3A_30, %get3A_33, %dot_general3A_34 {dimension_numbers = #tpu.dot_dimension_numbers<[1], [1], [0], [0], [0, 0, 1, 0], [], []>, transpose_lhs_hint = false} : vector<1000x128xf32>, vector<128x128xf32>, vector<1000x128xf32> -> vector<1000x128xf32>
    %get3A_36 = arith.constant 0 : index
    %get3A_37 = arith.constant 0 : index
    %get3A_38 = vector.load %arg3[%get3A_36, %get3A_37] : memref<1000x128xf32, #tpu.memory_space<vmem>>, vector<1000x128xf32>
    %get3A_39 = arith.constant 0 : index
    %get3A_40 = arith.constant 0 : index
    %get3A_41 = vector.load %arg6[%get3A_39, %get3A_40] : memref<128x128xf32, #tpu.memory_space<vmem>>, vector<128x128xf32>
    %dot_general3A_42 = arith.constant dense<0.000000e+00> : vector<1000x128xf32>
    %dot_general3A_43 = tpu.matmul %get3A_38, %get3A_41, %dot_general3A_42 {dimension_numbers = #tpu.dot_dimension_numbers<[1], [1], [0], [0], [0, 0, 1, 0], [], []>, transpose_lhs_hint = false} : vector<1000x128xf32>, vector<128x128xf32>, vector<1000x128xf32> -> vector<1000x128xf32>
    %add3A_44 = arith.addf %dot_general3A_35, %dot_general3A_43 : vector<1000x128xf32>
    %get3A_45 = arith.constant 0 : index
    %get3A_46 = arith.constant 0 : index
    %get3A_47 = vector.load %arg7[%get3A_45, %get3A_46] : memref<1x128xf32, #tpu.memory_space<vmem>>, vector<1x128xf32>
    %add3A_48 = vector.broadcast %get3A_47 : vector<1x128xf32> to vector<1000x128xf32>
    %add3A_49 = arith.addf %add3A_44, %add3A_48 : vector<1000x128xf32>
    %swap3A = arith.constant 0 : index
    %swap3A_50 = arith.constant 0 : index
    %swap3A_51 = vector.load %arg8[%swap3A, %swap3A_50] : memref<1000x128xf32, #tpu.memory_space<vmem>>, vector<1000x128xf32>
    tpu.vector_store %arg8[%swap3A, %swap3A_50], %add3A_49 {strides = array<i32>} : memref<1000x128xf32, #tpu.memory_space<vmem>>, vector<1000x128xf32>,
    return
  }
  func.func @transform_0(%arg0: i32) -> (i32, i32, i32) {
    %c0_i32 = arith.constant 0 : i32
    %c0_i32_0 = arith.constant 0 : i32
    %c0_i32_1 = arith.constant 0 : i32
    return %c0_i32, %arg0, %c0_i32_0 : i32, i32, i32
  }
  func.func @transform_1(%arg0: i32) -> (i32, i32, i32) {
    %c0_i32 = arith.constant 0 : i32
    %c0_i32_0 = arith.constant 0 : i32
    %c0_i32_1 = arith.constant 0 : i32
    return %c0_i32, %arg0, %c0_i32_0 : i32, i32, i32
  }
  func.func @transform_2(%arg0: i32) -> (i32, i32) {
    %c0_i32 = arith.constant 0 : i32
    %c0_i32_0 = arith.constant 0 : i32
    return %arg0, %c0_i32 : i32, i32
  }
  func.func @transform_3(%arg0: i32) -> (i32, i32) {
    %c0_i32 = arith.constant 0 : i32
    %c0_i32_0 = arith.constant 0 : i32
    %c0_i32_1 = arith.constant 0 : i32
    return %c0_i32, %c0_i32_0 : i32, i32
  }
  func.func @transform_4(%arg0: i32) -> (i32, i32) {
    %c0_i32 = arith.constant 0 : i32
    %c0_i32_0 = arith.constant 0 : i32
    %c0_i32_1 = arith.constant 0 : i32
    return %c0_i32, %c0_i32_0 : i32, i32
  }
  func.func @transform_5(%arg0: i32) -> (i32, i32) {
    %c0_i32 = arith.constant 0 : i32
    %c0_i32_0 = arith.constant 0 : i32
    %c0_i32_1 = arith.constant 0 : i32
    return %c0_i32, %c0_i32_0 : i32, i32
  }
  func.func @transform_6(%arg0: i32) -> (i32, i32) {
    %c0_i32 = arith.constant 0 : i32
    %c0_i32_0 = arith.constant 0 : i32
    %c0_i32_1 = arith.constant 0 : i32
    return %c0_i32, %c0_i32_0 : i32, i32
  }
  func.func @transform_7(%arg0: i32) -> (i32, i32) {
    %c0_i32 = arith.constant 0 : i32
    %c0_i32_0 = arith.constant 0 : i32
    return %arg0, %c0_i32 : i32, i32
  }
}

</mosaic_0001>

<sc_bundles>
// kernel: kernel.10.cloned.1.call-start
scs
__scs_entry_jumppad:
0x0: {  	(pc) =	sbr.rel $0x88, $3  }
0x1: {  	(tag) =	ssettag $0x0;
	lr =	simm.s32 $0x1  }
0x2: {  	[smem:$0x3F96] =	sst lr;
	_ =	strace $0xD0000000  }
0x3: {  	_ = 	snop  }
0x4: {  	_ = 	snop  }
0x5: {  	_ = 	snop  }
0x6: {  	_ = 	snop  }
0x7: {  	_ = 	snop  }
__scs_overlays_trampoline_lowered:
0x8: {  	[smem:$0x3FA5] =	sst s0  }
0x9: {  	[smem:$0x3FA6] =	sst s1  }
0xa: {  	[smem:$0x3FA7] =	sst s2  }
0xb: {  	[smem:$0x3FA8] =	sst s3  }
0xc: {  	[smem:$0x3FA9] =	sst s4  }
0xd: {  	[smem:$0x3FAA] =	sst s5  }
0xe: {  	[smem:$0x3FAB] =	sst s6  }
0xf: {  	[smem:$0x3FAC] =	sst s7  }
0x10: {  	[smem:$0x3FAD] =	sst s8  }
0x11: {  	[smem:$0x3FAE] =	sst s9;
	s0 =	simm.s32 @!p0 $0x0  }
0x12: {  	s1 =	sld [smem:$0x3F94];
	s0 =	simm.s32 @p0 $0x1  }
0x13: {  	[smem:$0x3FAF] =	sst s0;
	s0 =	simm.s32 @!p1 $0x0  }
0x14: {  	s2 =	sld [smem:$0x3F93];
	s0 =	simm.s32 @p1 $0x1  }
0x15: {  	[smem:$0x3FB0] =	sst s0;
	s0 =	simm.s32 @!p2 $0x0  }
0x16: {  	s3 =	sld [smem:$0x3FDB];
	s0 =	simm.s32 @p2 $0x1  }
0x17: {  	s4 =	simm.s32 $0x1BF5;
	[smem:$0x3FB2] =	sst s0  }
0x18: {  	s0 =	sld [smem:$0x3F95];
	_ =	swait.ge [sflag:s4], $0x0  }
0x19: {  	s7 =	sld [smem:$0x3F96]  }
0x1a: {  	s8 =	sadd.s32 $0xFFFFE003, lr  }
0x1b: {  	s9 =	sadd.s32 $0xFFFFFEF7, lr;
	s5 =	simm.s32 $0xFFFFFFFF;
	p2 =	slt.u32 s8, $0xFFFFF086  }
0x1c: {  	p1 =	slt.u32 s9, $0xF7A;
	s5 =	simm.s32 @!p2 $0x0  }
0x1d: {  	s5 =	simm.s32 @p1 $0x1;
	p0 =	seq.s32 s7, s2  }
0x1e: {  	s7 =	smul.u32 @!p0 $0xF7A, s2;
	p2 =	seq.s32 @!p0 s5, $0x0  }
0x1f: {  	s9 =	smul.u32 $0xF7A, s1;
	s8 =	simm.s32 @!p0 $0x1BF5;
	p2 =	por !p2, p0  }
0x20: {  	[sflag:s8] =	ssyncset.s32 @!p0 $0xFFFFF086;
	s6 =	sadd.s32 @!p0 s3, s7;
	s7 =	simm.s32 @!p0 $0x108  }
0x21: {  	s3 =	sadd.s32 s3, s9;
	s6 =	sadd.s32 @!p0 $0x88, s6;
	s7 =	simm.s32 @p2 $0x1082  }
0x22: {  	[simem:s7], [sflag:s8] =	dma.local @!p0 [hbm:s6], $0xF7A  }
0x23: {  	s9 =	sor.u32 $0xD0000000, s2;
	s6 =	simm.s32 $0x108;
	_ =	swait.ge @!p0 [sflag:s8], $0x0  }
0x24: {  	s3 =	sadd.s32 $0x88, s3;
	s6 =	simm.s32 @!p1 $0x1082;
	[sflag:s4] =	ssyncset.s32 $0xFFFFF086  }
0x25: {  	[simem:s6], [sflag:s4] =	dma.local [hbm:s3], $0xF7A  }
0x26: {  	[smem:$0x3F96] =	sst s1;
	(tag) =	ssettag s2;
	_ =	strace s9  }
0x27: {  	s1 =	sld [smem:$0x3FA6]  }
0x28: {  	s2 =	sld [smem:$0x3FA7]  }
0x29: {  	s4 =	sld [smem:$0x3FA9]  }
0x2a: {  	p0 =	seq.s32 s5, $0x0;
	s5 =	sld [smem:$0x3FAA]  }
0x2b: {  	s6 =	sld [smem:$0x3FAB]  }
0x2c: {  	s7 =	sld [smem:$0x3FAC]  }
0x2d: {  	s3 =	simm.s32 $0x108;
	s8 =	sld [smem:$0x3FAD]  }
0x2e: {  	s3 =	simm.s32 @!p0 $0x1082;
	s9 =	sld [smem:$0x3FAE]  }
0x2f: {  	lr =	sadd.s32 s0, s3;
	s0 =	sld [smem:$0x3FA5]  }
0x30: {  	s3 =	sld [smem:$0x3FA8]  }
0x31: {  	[smem:$0x3FB1] =	sst s10  }
0x32: {  	s10 =	sld [smem:$0x3FAF];
	_ =	sdelay $0x3  }
0x33: {  	p0 =	seq.s32 s10, $0x1;
	s10 =	sld [smem:$0x3FB1];
	_ =	sdelay $0x3  }
0x34: {  	[smem:$0x3FB1] =	sst s10  }
0x35: {  	s10 =	sld [smem:$0x3FB0];
	_ =	sdelay $0x3  }
0x36: {  	p1 =	seq.s32 s10, $0x1;
	s10 =	sld [smem:$0x3FB1];
	_ =	sdelay $0x3  }
0x37: {  	[smem:$0x3FB1] =	sst s10  }
0x38: {  	s10 =	sld [smem:$0x3FB2]  }
0x39: {  	_ = 	snop;
	(pc) =	sbr.ind lr, $3  }
0x3a: {  	_ = 	snop  }
0x3b: {  	_ = 	snop  }
0x3c: {  	p2 =	seq.s32 s10, $0x1;
	s10 =	sld [smem:$0x3FB1]  }
0x3d: {  	_ =	shalt  }
0x3e: {  	_ =	shalt  }
0x3f: {  	_ =	shalt  }
0x40: {  	_ =	shalt  }
0x41: {  	_ =	shalt  }
0x42: {  	_ =	shalt  }
0x43: {  	_ =	shalt  }
0x44: {  	_ =	shalt  }
0x45: {  	_ =	shalt  }
0x46: {  	_ =	shalt  }
0x47: {  	_ =	shalt  }
0x48: {  	_ =	shalt  }
0x49: {  	_ =	shalt  }
0x4a: {  	_ =	shalt  }
0x4b: {  	_ =	shalt  }
0x4c: {  	_ =	shalt  }
0x4d: {  	_ =	shalt  }
0x4e: {  	_ =	shalt  }
0x4f: {  	_ =	shalt  }
0x50: {  	_ =	shalt  }
0x51: {  	_ =	shalt  }
0x52: {  	_ =	shalt  }
0x53: {  	_ =	shalt  }
0x54: {  	_ =	shalt  }
0x55: {  	_ =	shalt  }
0x56: {  	_ =	shalt  }
0x57: {  	_ =	shalt  }
0x58: {  	_ =	shalt  }
0x59: {  	_ =	shalt  }
0x5a: {  	_ =	shalt  }
0x5b: {  	_ =	shalt  }
0x5c: {  	_ =	shalt  }
0x5d: {  	_ =	shalt  }
0x5e: {  	_ =	shalt  }
0x5f: {  	_ =	shalt  }
0x60: {  	_ =	shalt  }
0x61: {  	_ =	shalt  }
0x62: {  	_ =	shalt  }
0x63: {  	_ =	shalt  }
0x64: {  	_ =	shalt  }
0x65: {  	_ =	shalt  }
0x66: {  	_ =	shalt  }
0x67: {  	_ =	shalt  }
0x68: {  	_ =	shalt  }
0x69: {  	_ =	shalt  }
0x6a: {  	_ =	shalt  }
0x6b: {  	_ =	shalt  }
0x6c: {  	_ =	shalt  }
0x6d: {  	_ =	shalt  }
0x6e: {  	_ =	shalt  }
0x6f: {  	_ =	shalt  }
0x70: {  	_ =	shalt  }
0x71: {  	_ =	shalt  }
0x72: {  	_ =	shalt  }
0x73: {  	_ =	shalt  }
0x74: {  	_ =	shalt  }
0x75: {  	_ =	shalt  }
0x76: {  	_ =	shalt  }
0x77: {  	_ =	shalt  }
0x78: {  	_ =	shalt  }
0x79: {  	_ =	shalt  }
0x7a: {  	_ =	shalt  }
0x7b: {  	_ =	shalt  }
0x7c: {  	_ =	shalt  }
0x7d: {  	_ =	shalt  }
0x7e: {  	_ =	shalt  }
0x7f: {  	_ =	shalt  }
0x80: {  	_ =	shalt  }
0x81: {  	_ =	shalt  }
0x82: {  	_ =	shalt  }
0x83: {  	_ =	shalt  }
0x84: {  	_ =	shalt  }
0x85: {  	_ =	shalt  }
0x86: {  	_ =	shalt  }
0x87: {  	_ =	shalt  }
.Lfunc_end0:
.L_simem_size_0:
called_computation.1_lowered:
.L_overlay_start_0:
0x88: {  	s2 =	sld [smem:$0x3FD9]  }
0x89: {  	s3 =	sld [smem:$0x3FFE];
	_ =	sdelay $0x1  }
0x8a: {  	s1 =	srdreg.scid  }
0x8b: {  	s0 =	sand.u32 $0x1, s1  }
0x8c: {  	s17 =	sshll.u32 s0, $0xA;
	s2 =	sadd.s32 s3, s2  }
0x8d: {  	s2 =	sadd.s32 s2, s17  }
0x8e: {  	[smem:$0x3FBD] =	sst s2  }
0x8f: {  	_ = 	snop  }
0x90: {  	s2 =	sld [smem:$0x3FC9];
	(tm) =	ssettm $0x1  }
0x91: {  	s18 =	sld [smem:$0x3FFB];
	_ =	sdelay $0x3  }
0x92: {  	_ =	strace s18  }
0x93: {  	s3 =	sld [smem:$0x3FFC];
	_ =	sdelay $0x3  }
0x94: {  	_ =	strace s3  }
0x95: {  	s3 =	sld [smem:$0x3FFD];
	_ =	sdelay $0x3  }
0x96: {  	_ =	strace s3  }
0x97: {  	_ =	strace $0x8FFFFFFF  }
0x98: {  	s19 =	sld [smem:$0x3FDB];
	_ =	sdelay $0x1  }
0x99: {  	s4 =	simm.s32 $_scs_section_size  }
0x9a: {  	s5 =	simm.s32 $_size__tile_overlayer_lowered;
	s6 =	simm.s32 $_tile_overlayer_lowered  }
0x9b: {  	s22 =	simm.s32 $0x1BFF;
	s21 =	sshll.u32 s6, $0x1;
	s3 =	sadd.s32 s4, s19  }
0x9c: {  	s7 =	simm.s32 $0x0;
	s20 =	sshll.u32 s5, $0x1;
	s5 =	sadd.s32 s21, s3  }
0x9d: {  	[timem:s7], [sflag:s22] =	dma.local [hbm:s5], s20  }
0x9e: {  	_ =	swait.ge [sflag:s22], s20  }
0x9f: {  	s4 =	ssub.s32 $0x0, s20;
	[sflag:s22] =	ssyncset.done $0x0  }
0xa0: {  	[sflag:s22] =	ssyncadd.s32 s4;
	_ =	sdelay $0x1  }
0xa1: {  	s23 =	simm.s32 $0x1B8B  }
0xa2: {  	_ =	swait.ge [sflag:s23], $0x1  }
0xa3: {  	[sflag:s23] =	ssyncset.done $0x0  }
0xa4: {  	s25 =	simm.s32 $0x1B8E;
	s24 =	sld [smem:$0x3FFE];
	[sflag:s23] =	ssyncadd.s32 $0xFFFFFFFF  }
0xa5: {  	s26 =	simm.s32 $execute0_lowered;
	[smem:$0x3FD2] =	sst s25  }
0xa6: {  	s5 =	sshll.u32 s26, $0x1;
	_ =	strace $0x80000046;
	[dreg:$0x1] =	wrdreg $0xFFFFFFFF  }
0xa7: {  	s28 =	simm.s32 $_size_execute0_lowered;
	s3 =	sadd.s32 s3, s5;
	[dreg:$0x0] =	wrdreg $0x0  }
0xa8: {  	s5 =	sshll.u32 s28, $0x1;
	[dreg:$0x2] =	wrdreg s3  }
0xa9: {  	[dreg:$0x3] =	wrdreg s5  }
0xaa: {  	[dreg:$0x4] =	wrdreg $0xC0  }
0xab: {  	_ =	task [dreg:s7], $0x5FFFF  }
0xac: {  	[dreg:$0x1] =	wrdreg $0xFFFFFFFF  }
0xad: {  	[dreg:$0x0] =	wrdreg $0x60  }
0xae: {  	[dreg:$0x2] =	wrdreg s2  }
0xaf: {  	[dreg:$0x3] =	wrdreg s24  }
0xb0: {  	[dreg:$0x4] =	wrdreg $0x0  }
0xb1: {  	[dreg:$0x5] =	wrdreg $0xA  }
0xb2: {  	_ =	task.clear_ibuf [dreg:s7], $0x6FFFF;
	_ =	strace $0x90000046  }
0xb3: {  	s29 =	simm.s32 $0xA;
	_ =	strace $0x80000048  }
0xb4: {  	_ =	swait.ge [sflag:s29], $0x1  }
0xb5: {  	[sflag:s29] =	ssyncadd.s32 $0xFFFFFFFF  }
0xb6: {  	_ =	strace $0x90000048  }
0xb7: {  	_ =	sfence  }
0xb8: {  	s30 =	sld [smem:$0x0];
	_ =	sdelay $0x2  }
0xb9: {  	s31 =	sshll.u32 s1, $0xD;
	s1 =	sshrl.u32 s1, $0x2  }
0xba: {  	s3 =	sand.u32 $0x4000, s31;
	s1 =	sadd.s32 s1, s30  }
0xbb: {  	s0 =	sor.u32 s3, s0;
	s1 =	sshll.u32 s1, $0x11  }
0xbc: {  	s0 =	sor.u32 s1, s0  }
0xbd: {  	s0 =	sadd.s32 $0x8F2B, s0  }
0xbe: {  	[sflag:s0] =	ssyncadd.remote.s32 $0x1  }
0xbf: {  	_ =	sfence.sel $0xFFFF  }
0xc0: {  	[dreg:$0x0] =	wrdreg $0xFFFFFFFF;
	(pc) =	sbr.abs _section_cstart, $3  }
0xc1: {  	[dreg:$0x1] =	wrdreg $0xFFFFFFFF  }
0xc2: {  	_ =	task.clear_ibuf [dreg:s7], $0x2FFFF;
	_ =	strace $0x9FFFFFFF  }
0xc3: {  	(tm) =	ssettm $0x7FFFFFFF  }
tec
execute0_lowered:
.L_overlay_start_1:
0x0: {  	(tag) =	ssettag $0x1  }
0x1: {  	s1 =	rddreg [dreg:$0x0]  }
0x2: {  	s0 =	rddreg [dreg:$0x1]  }
0x3: {  	s3 =	rddreg [dreg:$0x2]  }
0x4: {  	s4 =	simm.s32 $0x0;
	s13 =	stileid.u32;
	s2 =	srdreg.scid  }
0x5: {  	s28 =	simm.s32 $0x16C00;
	s29 =	simm.s32 $0x19400;
	s30 =	simm.s32 $0x1BC00  }
0x6: {  	s31 =	simm.s32 $0x2;
	[smem:$0x7FF] =	sst s4;
	s5 =	smul.u32 $0x14000, s13  }
0x7: {  	s2 =	sand.u32 $0x1, s2;
	s8 =	sadd.s32 $0xD000, s0;
	s10 =	smul.u32 $0x50000, s13  }
0x8: {  	s9 =	sadd.s32 $0x3200, s0;
	s25 =	sshll.u32 s13, $0x1;
	s12 =	smul.u32 $0x4E20, s13  }
0x9: {  	s14 =	sshll.u32 s13, $0x6;
	s6 =	smul.u32 $0x140000, s2;
	s26 =	ssub.s32 $0x2, s2  }
0xa: {  	_ =	strace $0x80000047;
	s7 =	sshrl.u32 s5, $0x3;
	s11 =	sshrl.u32 s26, $0x1  }
0xb: {  	s10 =	sshrl.u32 s10, $0x2;
	s7 =	sadd.s32 s7, s0;
	s5 =	sadd.s32 s5, s6  }
0xc: {  	s6 =	sor.u32 s2, s25;
	s10 =	sadd.s32 s10, s3;
	s2 =	smul.u32 $0x2710, s2  }
0xd: {  	s5 =	sshrl.u32 s5, $0x3;
	s6 =	smul.u32 $0x2710, s6;
	[dreg:$0x9] =	wrdreg s10  }
0xe: {  	s7 =	sadd.s32 $0x16E00, s7;
	s0 =	sadd.s32 s5, s0;
	s5 =	ssub.s32 s26, s11  }
0xf: {  	[dreg:$0xa] =	wrdreg s7;
	s7 =	sor.u32 $0x1C04, s14;
	s2 =	sadd.s32 s2, s12  }
0x10: {  	s6 =	sshrl.u32 s6, $0x3;
	s16 =	sshrl.u32 s2, $0x3;
	s0 =	sadd.s32 $0x3EE00, s0  }
0x11: {  	s18 =	sadd.s32 $0xF0, s2;
	s22 =	sadd.s32 $0xA0, s2;
	s2 =	sadd.s32 $0x50, s2  }
0x12: {  	s5 =	smax.u32 s5, $0x1;
	[dreg:$0xb] =	wrdreg s7;
	s6 =	sadd.s32 $0x4D8, s6  }
0x13: {  	[dreg:$0xe] =	wrdreg s0;
	s17 =	sadd.s32 s16, s8;
	s19 =	sadd.s32 s16, s9  }
0x14: {  	s20 =	sshrl.u32 s18, $0x3;
	s24 =	sshrl.u32 s22, $0x3;
	[dreg:$0xf] =	wrdreg s5  }
0x15: {  	s26 =	sshrl.u32 s2, $0x3;
	s16 =	simm.s32 $0x14200;
	s18 =	simm.s32 $0x14280  }
0x16: {  	s22 =	simm.s32 $0x14380;
	s0 =	simm.s32 $0x3;
	s2 =	simm.s32 $0x0  }
0x17: {  	s15 =	sadd.s32 s9, s6;
	s6 =	sadd.s32 s8, s6;
	[dreg:$0x4] =	wrdreg s17  }
0x18: {  	[dreg:$0x5] =	wrdreg s19;
	s21 =	sadd.s32 s20, s8;
	s23 =	sadd.s32 s20, s9  }
0x19: {  	s25 =	sadd.s32 s24, s8;
	s12 =	sadd.s32 s24, s9;
	[dreg:$0xc] =	wrdreg s15  }
0x1a: {  	s13 =	sadd.s32 s26, s8;
	s14 =	sadd.s32 s26, s9;
	[dreg:$0xd] =	wrdreg s6  }
0x1b: {  	s17 =	simm.s32 $0x14000;
	s19 =	simm.s32 $0x14080;
	[dreg:$0x6] =	wrdreg s21  }
0x1c: {  	s20 =	simm.s32 $0x14300;
	s24 =	simm.s32 $0x1;
	[dreg:$0x7] =	wrdreg s23  }
0x1d: {  	s26 =	simm.s32 $0x14400;
	[dreg:$0x8] =	wrdreg s25;
	s15 =	simm.s32 $0x4  }
0x1e: {  	s21 =	simm.s32 $0x14100;
	s23 =	simm.s32 $0x14180;
	s25 =	simm.s32 $0x50  }
.LBB2_1:
0x1f: {  	s5 =	rddreg [dreg:$0x9]  }
0x20: {  	s6 =	rddreg [dreg:$0xa];
	s5 =	sshrl.u32 s5, $0x3  }
0x21: {  	[spmem:s5], [sflag:s7] =	dma.local [hbm:s6], $0x2800  }
0x22: {  	_ =	swait.ge [sflag:s15], $0x2800  }
0x23: {  	[sflag:s15] =	ssyncset.done $0x0  }
0x24: {  	[sflag:s15] =	ssyncadd.s32 $0xFFFFD800  }
0x25: {  	[bflag:$0x0] =	sbarrier.arrive $0xFFFF  }
0x26: {  	s7 =	rddreg [dreg:$0x5]  }
0x27: {  	s8 =	rddreg [dreg:$0x4];
	s6 =	sadd.s32 $0x0, s7  }
0x28: {  	[tilespmem:s16], [sflag:$0x1] =	stream.linear.gather [hbm4b:s6+s4], $0x50, $0x38;
	[tilespmem:$0x1E400] =	vst v63  }
0x29: {  	s9 =	sadd.s32 $0x0, s8  }
0x2a: {  	[tilespmem:s17], [sflag:$0x1] =	stream.linear.gather [hbm4b:s9+s4], $0x50, $0x38;
	[tilespmem:$0x1E400] =	vst v63  }
0x2b: {  	s10 =	sadd.s32 $0x0, s14  }
0x2c: {  	[tilespmem:s18], [sflag:$0x1] =	stream.linear.gather [hbm4b:s10+s4], $0x50, $0x38;
	[tilespmem:$0x1E400] =	vst v63  }
0x2d: {  	s11 =	sadd.s32 $0x0, s13  }
0x2e: {  	[tilespmem:s19], [sflag:$0x1] =	stream.linear.gather [hbm4b:s11+s4], $0x50, $0x38;
	[tilespmem:$0x1E400] =	vst v63  }
0x2f: {  	s7 =	rddreg [dreg:$0x8];
	s10 =	sadd.s32 $0x0, s12  }
0x30: {  	[tilespmem:s20], [sflag:$0x1] =	stream.linear.gather [hbm4b:s10+s4], $0x50, $0x38;
	[tilespmem:$0x1E400] =	vst v63  }
0x31: {  	s9 =	rddreg [dreg:$0x7];
	s11 =	sadd.s32 $0x0, s7  }
0x32: {  	[tilespmem:s21], [sflag:$0x1] =	stream.linear.gather [hbm4b:s11+s4], $0x50, $0x38;
	[tilespmem:$0x1E400] =	vst v63  }
0x33: {  	s7 =	rddreg [dreg:$0x6];
	s10 =	sadd.s32 $0x0, s9  }
0x34: {  	[tilespmem:s22], [sflag:$0x1] =	stream.linear.gather [hbm4b:s10+s4], $0x50, $0x38;
	[tilespmem:$0x1E400] =	vst v63  }
0x35: {  	s11 =	sadd.s32 $0x0, s7  }
0x36: {  	[tilespmem:s23], [sflag:$0x1] =	stream.linear.gather [hbm4b:s11+s4], $0x50, $0x38;
	[tilespmem:$0x1E400] =	vst v63  }
0x37: {  	_ =	swait.ge [sflag:s24], $0x50  }
0x38: {  	[sflag:s24] =	ssyncset.done $0x0  }
0x39: {  	[sflag:s24] =	ssyncadd.s32 $0xFFFFFFB0  }
0x3a: {  	_ =	swait.ge [sflag:s24], $0x50  }
0x3b: {  	[sflag:s24] =	ssyncset.done $0x0  }
0x3c: {  	[sflag:s24] =	ssyncadd.s32 $0xFFFFFFB0  }
0x3d: {  	[tilespmem:s26], [sflag:$0x2] =	stream.indirect.gather [hbm4b:s1+s25], $0x80, s17, s25, $0xb8;
	[tilespmem:$0x1E400] =	vst v63  }
0x3e: {  	_ =	swait.ge [sflag:s24], $0x50  }
0x3f: {  	[sflag:s24] =	ssyncset.done $0x0  }
0x40: {  	[sflag:s24] =	ssyncadd.s32 $0xFFFFFFB0  }
0x41: {  	_ =	swait.ge [sflag:s24], $0x50  }
0x42: {  	[sflag:s24] =	ssyncset.done $0x0  }
0x43: {  	[sflag:s24] =	ssyncadd.s32 $0xFFFFFFB0  }
0x44: {  	[tilespmem:s28], [sflag:$0x2] =	stream.indirect.gather [hbm4b:s1+s25], $0x80, s19, s25, $0xb8;
	[tilespmem:$0x1E400] =	vst v63  }
0x45: {  	_ =	swait.ge [sflag:s24], $0x50  }
0x46: {  	[sflag:s24] =	ssyncset.done $0x0  }
0x47: {  	[sflag:s24] =	ssyncadd.s32 $0xFFFFFFB0  }
0x48: {  	_ =	swait.ge [sflag:s24], $0x50  }
0x49: {  	[sflag:s24] =	ssyncset.done $0x0  }
0x4a: {  	[sflag:s24] =	ssyncadd.s32 $0xFFFFFFB0  }
0x4b: {  	[tilespmem:s29], [sflag:$0x2] =	stream.indirect.gather [hbm4b:s1+s25], $0x80, s21, s25, $0xb8;
	[tilespmem:$0x1E400] =	vst v63  }
0x4c: {  	_ =	swait.ge [sflag:s24], $0x50  }
0x4d: {  	[sflag:s24] =	ssyncset.done $0x0  }
0x4e: {  	[sflag:s24] =	ssyncadd.s32 $0xFFFFFFB0  }
0x4f: {  	_ =	swait.ge [sflag:s24], $0x50  }
0x50: {  	[sflag:s24] =	ssyncset.done $0x0  }
0x51: {  	[sflag:s24] =	ssyncadd.s32 $0xFFFFFFB0  }
0x52: {  	[tilespmem:s30], [sflag:$0x2] =	stream.indirect.gather [hbm4b:s1+s25], $0x80, s23, s25, $0xb8;
	[tilespmem:$0x1E400] =	vst v63  }
0x53: {  	_ =	swait.ge [sflag:s31], $0x2800  }
0x54: {  	[sflag:s31] =	ssyncset.done $0x0  }
0x55: {  	[sflag:s31] =	ssyncadd.s32 $0xFFFFD800  }
0x56: {  	[spmem:s3] =	stream.indirect.scatter.add.f32 [tilespmem:s26], [sflag:$0x3], $0x80, s16, s25, $0xb8;
	[tilespmem:$0x1E400] =	vst v63  }
0x57: {  	_ =	swait.ge [sflag:s31], $0x2800  }
0x58: {  	[sflag:s31] =	ssyncset.done $0x0  }
0x59: {  	[sflag:s31] =	ssyncadd.s32 $0xFFFFD800  }
0x5a: {  	[spmem:s3] =	stream.indirect.scatter.add.f32 [tilespmem:s28], [sflag:$0x3], $0x80, s18, s25, $0xb8;
	[tilespmem:$0x1E400] =	vst v63  }
0x5b: {  	_ =	swait.ge [sflag:s31], $0x2800  }
0x5c: {  	[sflag:s31] =	ssyncset.done $0x0  }
0x5d: {  	[sflag:s31] =	ssyncadd.s32 $0xFFFFD800  }
0x5e: {  	[spmem:s3] =	stream.indirect.scatter.add.f32 [tilespmem:s29], [sflag:$0x3], $0x80, s20, s25, $0xb8;
	[tilespmem:$0x1E400] =	vst v63  }
0x5f: {  	_ =	swait.ge [sflag:s31], $0x2800  }
0x60: {  	[sflag:s31] =	ssyncset.done $0x0  }
0x61: {  	[sflag:s31] =	ssyncadd.s32 $0xFFFFD800  }
0x62: {  	[spmem:s3] =	stream.indirect.scatter.add.f32 [tilespmem:s30], [sflag:$0x3], $0x80, s22, s25, $0xb8;
	[tilespmem:$0x1E400] =	vst v63  }
0x63: {  	_ =	swait.ge [sflag:s0], $0x2800  }
0x64: {  	[sflag:s0] =	ssyncset.done $0x0  }
0x65: {  	[sflag:s0] =	ssyncadd.s32 $0xFFFFD800  }
0x66: {  	_ =	swait.ge [sflag:s0], $0x2800  }
0x67: {  	[sflag:s0] =	ssyncset.done $0x0  }
0x68: {  	[sflag:s0] =	ssyncadd.s32 $0xFFFFD800  }
0x69: {  	_ =	swait.ge [sflag:s0], $0x2800  }
0x6a: {  	[sflag:s0] =	ssyncset.done $0x0  }
0x6b: {  	[sflag:s0] =	ssyncadd.s32 $0xFFFFD800  }
0x6c: {  	s8 =	simm.s32 $0x50;
	_ =	swait.ge [sflag:s0], $0x2800  }
0x6d: {  	s6 =	simm.s32 $0x28;
	s9 =	rddreg [dreg:$0x5];
	[sflag:s0] =	ssyncset.done $0x0  }
.LBB2_2:
0x6e: {  	[sflag:s0] =	ssyncadd.s32 $0xFFFFD800;
	s11 =	rddreg [dreg:$0x4];
	s9 =	sadd.s32 s6, s9  }
0x6f: {  	[tilespmem:s16], [sflag:$0x1] =	stream.linear.gather [hbm4b:s9+s4], $0x50, $0x38;
	[tilespmem:$0x1E400] =	vst v63  }
0x70: {  	s7 =	sadd.s32 s6, s11  }
0x71: {  	[tilespmem:s17], [sflag:$0x1] =	stream.linear.gather [hbm4b:s7+s4], $0x50, $0x38;
	[tilespmem:$0x1E400] =	vst v63  }
0x72: {  	s11 =	sadd.s32 s6, s14  }
0x73: {  	[tilespmem:s18], [sflag:$0x1] =	stream.linear.gather [hbm4b:s11+s4], $0x50, $0x38;
	[tilespmem:$0x1E400] =	vst v63  }
0x74: {  	s7 =	sadd.s32 s6, s13  }
0x75: {  	[tilespmem:s19], [sflag:$0x1] =	stream.linear.gather [hbm4b:s7+s4], $0x50, $0x38;
	[tilespmem:$0x1E400] =	vst v63  }
0x76: {  	s9 =	sadd.s32 s6, s12;
	s11 =	rddreg [dreg:$0x8]  }
0x77: {  	[tilespmem:s20], [sflag:$0x1] =	stream.linear.gather [hbm4b:s9+s4], $0x50, $0x38;
	[tilespmem:$0x1E400] =	vst v63  }
0x78: {  	s7 =	rddreg [dreg:$0x7];
	s9 =	sadd.s32 s6, s11  }
0x79: {  	[tilespmem:s21], [sflag:$0x1] =	stream.linear.gather [hbm4b:s9+s4], $0x50, $0x38;
	[tilespmem:$0x1E400] =	vst v63  }
0x7a: {  	s7 =	sadd.s32 s6, s7;
	s11 =	rddreg [dreg:$0x6]  }
0x7b: {  	[tilespmem:s22], [sflag:$0x1] =	stream.linear.gather [hbm4b:s7+s4], $0x50, $0x38;
	[tilespmem:$0x1E400] =	vst v63  }
0x7c: {  	s11 =	sadd.s32 s6, s11  }
0x7d: {  	[tilespmem:s23], [sflag:$0x1] =	stream.linear.gather [hbm4b:s11+s4], $0x50, $0x38;
	[tilespmem:$0x1E400] =	vst v63  }
0x7e: {  	_ =	swait.ge [sflag:s24], $0x50  }
0x7f: {  	[sflag:s24] =	ssyncset.done $0x0  }
0x80: {  	[sflag:s24] =	ssyncadd.s32 $0xFFFFFFB0  }
0x81: {  	_ =	swait.ge [sflag:s24], $0x50  }
0x82: {  	[sflag:s24] =	ssyncset.done $0x0  }
0x83: {  	[sflag:s24] =	ssyncadd.s32 $0xFFFFFFB0  }
0x84: {  	[tilespmem:s26], [sflag:$0x2] =	stream.indirect.gather [hbm4b:s1+s25], $0x80, s17, s25, $0xb8;
	[tilespmem:$0x1E400] =	vst v63  }
0x85: {  	_ =	swait.ge [sflag:s24], $0x50  }
0x86: {  	[sflag:s24] =	ssyncset.done $0x0  }
0x87: {  	[sflag:s24] =	ssyncadd.s32 $0xFFFFFFB0  }
0x88: {  	_ =	swait.ge [sflag:s24], $0x50  }
0x89: {  	[sflag:s24] =	ssyncset.done $0x0  }
0x8a: {  	[sflag:s24] =	ssyncadd.s32 $0xFFFFFFB0  }
0x8b: {  	[tilespmem:s28], [sflag:$0x2] =	stream.indirect.gather [hbm4b:s1+s25], $0x80, s19, s25, $0xb8;
	[tilespmem:$0x1E400] =	vst v63  }
0x8c: {  	_ =	swait.ge [sflag:s24], $0x50  }
0x8d: {  	[sflag:s24] =	ssyncset.done $0x0  }
0x8e: {  	[sflag:s24] =	ssyncadd.s32 $0xFFFFFFB0  }
0x8f: {  	_ =	swait.ge [sflag:s24], $0x50  }
0x90: {  	[sflag:s24] =	ssyncset.done $0x0  }
0x91: {  	[sflag:s24] =	ssyncadd.s32 $0xFFFFFFB0  }
0x92: {  	[tilespmem:s29], [sflag:$0x2] =	stream.indirect.gather [hbm4b:s1+s25], $0x80, s21, s25, $0xb8;
	[tilespmem:$0x1E400] =	vst v63  }
0x93: {  	_ =	swait.ge [sflag:s24], $0x50  }
0x94: {  	[sflag:s24] =	ssyncset.done $0x0  }
0x95: {  	[sflag:s24] =	ssyncadd.s32 $0xFFFFFFB0  }
0x96: {  	_ =	swait.ge [sflag:s24], $0x50  }
0x97: {  	[sflag:s24] =	ssyncset.done $0x0  }
0x98: {  	[sflag:s24] =	ssyncadd.s32 $0xFFFFFFB0  }
0x99: {  	[tilespmem:s30], [sflag:$0x2] =	stream.indirect.gather [hbm4b:s1+s25], $0x80, s23, s25, $0xb8;
	[tilespmem:$0x1E400] =	vst v63  }
0x9a: {  	_ =	swait.ge [sflag:s31], $0x2800  }
0x9b: {  	[sflag:s31] =	ssyncset.done $0x0  }
0x9c: {  	[sflag:s31] =	ssyncadd.s32 $0xFFFFD800  }
0x9d: {  	[spmem:s3] =	stream.indirect.scatter.add.f32 [tilespmem:s26], [sflag:$0x3], $0x80, s16, s25, $0xb8;
	[tilespmem:$0x1E400] =	vst v63  }
0x9e: {  	_ =	swait.ge [sflag:s31], $0x2800  }
0x9f: {  	[sflag:s31] =	ssyncset.done $0x0  }
0xa0: {  	[sflag:s31] =	ssyncadd.s32 $0xFFFFD800  }
0xa1: {  	[spmem:s3] =	stream.indirect.scatter.add.f32 [tilespmem:s28], [sflag:$0x3], $0x80, s18, s25, $0xb8;
	[tilespmem:$0x1E400] =	vst v63  }
0xa2: {  	_ =	swait.ge [sflag:s31], $0x2800  }
0xa3: {  	[sflag:s31] =	ssyncset.done $0x0  }
0xa4: {  	[sflag:s31] =	ssyncadd.s32 $0xFFFFD800  }
0xa5: {  	[spmem:s3] =	stream.indirect.scatter.add.f32 [tilespmem:s29], [sflag:$0x3], $0x80, s20, s25, $0xb8;
	[tilespmem:$0x1E400] =	vst v63  }
0xa6: {  	_ =	swait.ge [sflag:s31], $0x2800  }
0xa7: {  	[sflag:s31] =	ssyncset.done $0x0  }
0xa8: {  	[sflag:s31] =	ssyncadd.s32 $0xFFFFD800  }
0xa9: {  	[spmem:s3] =	stream.indirect.scatter.add.f32 [tilespmem:s30], [sflag:$0x3], $0x80, s22, s25, $0xb8;
	[tilespmem:$0x1E400] =	vst v63  }
0xaa: {  	_ =	swait.ge [sflag:s0], $0x2800  }
0xab: {  	[sflag:s0] =	ssyncset.done $0x0  }
0xac: {  	[sflag:s0] =	ssyncadd.s32 $0xFFFFD800  }
0xad: {  	_ =	swait.ge [sflag:s0], $0x2800  }
0xae: {  	[sflag:s0] =	ssyncset.done $0x0  }
0xaf: {  	p0 =	sne.s32 s8, $0x4B0;
	[sflag:s0] =	ssyncadd.s32 $0xFFFFD800  }
.Ltmp0:
0xb0: {  	_ =	swait.ge [sflag:s0], $0x2800;
	(pc) =	sbr.rel @p0 .LBB2_2-.Ltmp0, $4  }
0xb1: {  	[sflag:s0] =	ssyncset.done $0x0  }
0xb2: {  	[sflag:s0] =	ssyncadd.s32 $0xFFFFD800  }
0xb3: {  	s10 =	smov.u32 s8;
	s8 =	sadd.s32 $0x28, s8;
	_ =	swait.ge [sflag:s0], $0x2800  }
0xb4: {  	s6 =	smov.u32 s10;
	s9 =	rddreg [dreg:$0x5];
	[sflag:s0] =	ssyncset.done $0x0  }
0xb5: {  	s7 =	rddreg [dreg:$0x4];
	[sflag:s0] =	ssyncadd.s32 $0xFFFFD800;
	s8 =	sadd.s32 s6, s9  }
0xb6: {  	[tilespmem:s16], [sflag:$0x1] =	stream.linear.gather [hbm4b:s8+s4], $0x50, $0x38;
	[tilespmem:$0x1E400] =	vst v63  }
0xb7: {  	s7 =	sadd.s32 s6, s7  }
0xb8: {  	[tilespmem:s17], [sflag:$0x1] =	stream.linear.gather [hbm4b:s7+s4], $0x50, $0x38;
	[tilespmem:$0x1E400] =	vst v63  }
0xb9: {  	s9 =	sadd.s32 s6, s14  }
0xba: {  	[tilespmem:s18], [sflag:$0x1] =	stream.linear.gather [hbm4b:s9+s4], $0x50, $0x38;
	[tilespmem:$0x1E400] =	vst v63  }
0xbb: {  	s10 =	sadd.s32 s6, s13  }
0xbc: {  	[tilespmem:s19], [sflag:$0x1] =	stream.linear.gather [hbm4b:s10+s4], $0x50, $0x38;
	[tilespmem:$0x1E400] =	vst v63  }
0xbd: {  	s11 =	rddreg [dreg:$0x8];
	s9 =	sadd.s32 s6, s12  }
0xbe: {  	[tilespmem:s20], [sflag:$0x1] =	stream.linear.gather [hbm4b:s9+s4], $0x50, $0x38;
	[tilespmem:$0x1E400] =	vst v63  }
0xbf: {  	s8 =	sadd.s32 s6, s11;
	s10 =	rddreg [dreg:$0x7]  }
0xc0: {  	[tilespmem:s21], [sflag:$0x1] =	stream.linear.gather [hbm4b:s8+s4], $0x50, $0x38;
	[tilespmem:$0x1E400] =	vst v63  }
0xc1: {  	s11 =	rddreg [dreg:$0x6];
	s7 =	sadd.s32 s6, s10  }
0xc2: {  	[tilespmem:s22], [sflag:$0x1] =	stream.linear.gather [hbm4b:s7+s4], $0x50, $0x38;
	[tilespmem:$0x1E400] =	vst v63  }
0xc3: {  	s7 =	sadd.s32 s6, s11  }
0xc4: {  	[tilespmem:s23], [sflag:$0x1] =	stream.linear.gather [hbm4b:s7+s4], $0x50, $0x38;
	[tilespmem:$0x1E400] =	vst v63  }
0xc5: {  	_ =	swait.ge [sflag:s24], $0x50  }
0xc6: {  	[sflag:s24] =	ssyncset.done $0x0  }
0xc7: {  	[sflag:s24] =	ssyncadd.s32 $0xFFFFFFB0  }
0xc8: {  	_ =	swait.ge [sflag:s24], $0x50  }
0xc9: {  	[sflag:s24] =	ssyncset.done $0x0  }
0xca: {  	[sflag:s24] =	ssyncadd.s32 $0xFFFFFFB0  }
0xcb: {  	[tilespmem:s26], [sflag:$0x2] =	stream.indirect.gather [hbm4b:s1+s25], $0x80, s17, s25, $0xb8;
	[tilespmem:$0x1E400] =	vst v63  }
0xcc: {  	_ =	swait.ge [sflag:s24], $0x50  }
0xcd: {  	[sflag:s24] =	ssyncset.done $0x0  }
0xce: {  	[sflag:s24] =	ssyncadd.s32 $0xFFFFFFB0  }
0xcf: {  	_ =	swait.ge [sflag:s24], $0x50  }
0xd0: {  	[sflag:s24] =	ssyncset.done $0x0  }
0xd1: {  	[sflag:s24] =	ssyncadd.s32 $0xFFFFFFB0  }
0xd2: {  	[tilespmem:s28], [sflag:$0x2] =	stream.indirect.gather [hbm4b:s1+s25], $0x80, s19, s25, $0xb8;
	[tilespmem:$0x1E400] =	vst v63  }
0xd3: {  	_ =	swait.ge [sflag:s24], $0x50  }
0xd4: {  	[sflag:s24] =	ssyncset.done $0x0  }
0xd5: {  	[sflag:s24] =	ssyncadd.s32 $0xFFFFFFB0  }
0xd6: {  	_ =	swait.ge [sflag:s24], $0x50  }
0xd7: {  	[sflag:s24] =	ssyncset.done $0x0  }
0xd8: {  	[sflag:s24] =	ssyncadd.s32 $0xFFFFFFB0  }
0xd9: {  	[tilespmem:s29], [sflag:$0x2] =	stream.indirect.gather [hbm4b:s1+s25], $0x80, s21, s25, $0xb8;
	[tilespmem:$0x1E400] =	vst v63  }
0xda: {  	_ =	swait.ge [sflag:s24], $0x50  }
0xdb: {  	[sflag:s24] =	ssyncset.done $0x0  }
0xdc: {  	[sflag:s24] =	ssyncadd.s32 $0xFFFFFFB0  }
0xdd: {  	_ =	swait.ge [sflag:s24], $0x50  }
0xde: {  	[sflag:s24] =	ssyncset.done $0x0  }
0xdf: {  	[sflag:s24] =	ssyncadd.s32 $0xFFFFFFB0  }
0xe0: {  	[tilespmem:s30], [sflag:$0x2] =	stream.indirect.gather [hbm4b:s1+s25], $0x80, s23, s25, $0xb8;
	[tilespmem:$0x1E400] =	vst v63  }
0xe1: {  	_ =	swait.ge [sflag:s31], $0x2800  }
0xe2: {  	[sflag:s31] =	ssyncset.done $0x0  }
0xe3: {  	[sflag:s31] =	ssyncadd.s32 $0xFFFFD800  }
0xe4: {  	[spmem:s3] =	stream.indirect.scatter.add.f32 [tilespmem:s26], [sflag:$0x3], $0x80, s16, s25, $0xb8;
	[tilespmem:$0x1E400] =	vst v63  }
0xe5: {  	_ =	swait.ge [sflag:s31], $0x2800  }
0xe6: {  	[sflag:s31] =	ssyncset.done $0x0  }
0xe7: {  	[sflag:s31] =	ssyncadd.s32 $0xFFFFD800  }
0xe8: {  	[spmem:s3] =	stream.indirect.scatter.add.f32 [tilespmem:s28], [sflag:$0x3], $0x80, s18, s25, $0xb8;
	[tilespmem:$0x1E400] =	vst v63  }
0xe9: {  	_ =	swait.ge [sflag:s31], $0x2800  }
0xea: {  	[sflag:s31] =	ssyncset.done $0x0  }
0xeb: {  	[sflag:s31] =	ssyncadd.s32 $0xFFFFD800  }
0xec: {  	[spmem:s3] =	stream.indirect.scatter.add.f32 [tilespmem:s29], [sflag:$0x3], $0x80, s20, s25, $0xb8;
	[tilespmem:$0x1E400] =	vst v63  }
0xed: {  	_ =	swait.ge [sflag:s31], $0x2800  }
0xee: {  	[sflag:s31] =	ssyncset.done $0x0  }
0xef: {  	[sflag:s31] =	ssyncadd.s32 $0xFFFFD800  }
0xf0: {  	[spmem:s3] =	stream.indirect.scatter.add.f32 [tilespmem:s30], [sflag:$0x3], $0x80, s22, s25, $0xb8;
	[tilespmem:$0x1E400] =	vst v63  }
0xf1: {  	_ =	swait.ge [sflag:s0], $0x2800  }
0xf2: {  	[sflag:s0] =	ssyncset.done $0x0  }
0xf3: {  	[sflag:s0] =	ssyncadd.s32 $0xFFFFD800  }
0xf4: {  	_ =	swait.ge [sflag:s0], $0x2800  }
0xf5: {  	[sflag:s0] =	ssyncset.done $0x0  }
0xf6: {  	[sflag:s0] =	ssyncadd.s32 $0xFFFFD800  }
0xf7: {  	_ =	swait.ge [sflag:s0], $0x2800  }
0xf8: {  	[sflag:s0] =	ssyncset.done $0x0  }
0xf9: {  	[sflag:s0] =	ssyncadd.s32 $0xFFFFD800  }
0xfa: {  	_ =	swait.ge [sflag:s0], $0x2800  }
0xfb: {  	[sflag:s0] =	ssyncset.done $0x0  }
0xfc: {  	s8 =	rddreg [dreg:$0xc];
	[sflag:s0] =	ssyncadd.s32 $0xFFFFD800  }
0xfd: {  	[tilespmem:s16], [sflag:$0x1] =	stream.linear.gather [hbm4b:s8+s4], $0x50, $0x38;
	[tilespmem:$0x1E400] =	vst v63  }
0xfe: {  	s9 =	rddreg [dreg:$0xd]  }
0xff: {  	[tilespmem:s17], [sflag:$0x1] =	stream.linear.gather [hbm4b:s9+s4], $0x50, $0x38;
	[tilespmem:$0x1E400] =	vst v63  }
0x100: {  	_ =	swait.ge [sflag:s24], $0x50  }
0x101: {  	[sflag:s24] =	ssyncset.done $0x0  }
0x102: {  	[sflag:s24] =	ssyncadd.s32 $0xFFFFFFB0  }
0x103: {  	_ =	swait.ge [sflag:s24], $0x50  }
0x104: {  	[sflag:s24] =	ssyncset.done $0x0  }
0x105: {  	[sflag:s24] =	ssyncadd.s32 $0xFFFFFFB0  }
0x106: {  	[tilespmem:s26], [sflag:$0x2] =	stream.indirect.gather [hbm4b:s1+s25], $0x80, s17, s25, $0xb8;
	[tilespmem:$0x1E400] =	vst v63  }
0x107: {  	_ =	swait.ge [sflag:s31], $0x2800  }
0x108: {  	[sflag:s31] =	ssyncset.done $0x0  }
0x109: {  	[sflag:s31] =	ssyncadd.s32 $0xFFFFD800  }
0x10a: {  	[spmem:s3] =	stream.indirect.scatter.add.f32 [tilespmem:s26], [sflag:$0x3], $0x80, s16, s25, $0xb8;
	[tilespmem:$0x1E400] =	vst v63  }
0x10b: {  	_ =	swait.ge [sflag:s0], $0x2800  }
0x10c: {  	[sflag:s0] =	ssyncset.done $0x0  }
0x10d: {  	[sflag:s0] =	ssyncadd.s32 $0xFFFFD800  }
0x10e: {  	[bflag:$0x0] =	sbarrier.arrive $0xFFFF  }
0x10f: {  	s7 =	rddreg [dreg:$0xb]  }
0x110: {  	s10 =	rddreg [dreg:$0xe]  }
0x111: {  	[hbm:s10], [sflag:s7] =	dma.local [spmem:s5], $0x2800  }
0x112: {  	_ =	swait.ge [sflag:s15], $0x2800  }
0x113: {  	s2 =	sadd.s32 $0x1, s2;
	s11 =	rddreg [dreg:$0xf]  }
0x114: {  	p0 =	sne.s32 s2, s11  }
.Ltmp1:
0x115: {  	_ = 	snop;
	(pc) =	sbr.rel @p0 .LBB2_1-.Ltmp1, $3  }
0x116: {  	_ =	sdelay $0x1  }
0x117: {  	[sflag:s15] =	ssyncset.done $0x0  }
0x118: {  	[sflag:s15] =	ssyncadd.s32 $0xFFFFD800  }
0x119: {  	_ =	sfence.sel $0x180000  }
0x11a: {  	[bflag:$0x0] =	sbarrier.arrive $0xFFFF  }
0x11b: {  	_ =	strace $0x90000047  }
0x11c: {  	s0 =	stileid.u32;
	[bflag:$0x2] =	sbarrier.arrive $0xFFFF  }
0x11d: {  	p0 =	sne.s32 s0, $0x0;
	s0 =	rddreg [dreg:$0x3]  }
0x11e: {  	s0 =	sadd.s32 @!p0 $0x100000, s0  }
0x11f: {  	[sflag:s0] =	ssyncadd.tile.s32 @!p0 $0x1;
	_ =	shalt  }
.Lfunc_end2:
_tile_overlayer_lowered:
.L_overlay_start_2:
0x120: {  	(tag) =	ssettag $0x2  }
0x121: {  	s0 =	rddreg [dreg:$0x0];
	s2 =	stileid.u32  }
0x122: {  	s1 =	rddreg [dreg:$0x1];
	p0 =	sne.s32 s2, $0x0  }
0x123: {  	s3 =	rddreg [dreg:$0x2];
	[bflag:$0x3] =	sbarrier.arrive $0xFFFF;
	s2 =	simm.s32 @!p0 $0x1C04  }
0x124: {  	[timem:s3], [sflag:s2] =	dma.local @!p0 [hbm:s0], s1  }
0x125: {  	s0 =	simm.s32 @!p0 $0x4  }
0x126: {  	_ =	swait.ge @!p0 [sflag:s0], s1  }
0x127: {  	s1 =	ssub.s32 @!p0 $0x0, s1;
	[sflag:s0] =	ssyncset.done @!p0 $0x0  }
0x128: {  	[sflag:s0] =	ssyncadd.s32 @!p0 s1  }
0x129: {  	[bflag:$0x3] =	sbarrier.arrive $0xFFFF  }
0x12a: {  	_ =	shalt  }

// kernel: kernel.13.cloned.1.call-start
scs
__scs_entry_jumppad:
0x0: {  	(pc) =	sbr.rel $0x88, $3  }
0x1: {  	(tag) =	ssettag $0x0;
	lr =	simm.s32 $0x1  }
0x2: {  	[smem:$0x3F96] =	sst lr;
	_ =	strace $0xD0000000  }
0x3: {  	_ = 	snop  }
0x4: {  	_ = 	snop  }
0x5: {  	_ = 	snop  }
0x6: {  	_ = 	snop  }
0x7: {  	_ = 	snop  }
__scs_overlays_trampoline_lowered:
0x8: {  	[smem:$0x3FA5] =	sst s0  }
0x9: {  	[smem:$0x3FA6] =	sst s1  }
0xa: {  	[smem:$0x3FA7] =	sst s2  }
0xb: {  	[smem:$0x3FA8] =	sst s3  }
0xc: {  	[smem:$0x3FA9] =	sst s4  }
0xd: {  	[smem:$0x3FAA] =	sst s5  }
0xe: {  	[smem:$0x3FAB] =	sst s6  }
0xf: {  	[smem:$0x3FAC] =	sst s7  }
0x10: {  	[smem:$0x3FAD] =	sst s8  }
0x11: {  	[smem:$0x3FAE] =	sst s9;
	s0 =	simm.s32 @!p0 $0x0  }
0x12: {  	s1 =	sld [smem:$0x3F94];
	s0 =	simm.s32 @p0 $0x1  }
0x13: {  	[smem:$0x3FAF] =	sst s0;
	s0 =	simm.s32 @!p1 $0x0  }
0x14: {  	s2 =	sld [smem:$0x3F93];
	s0 =	simm.s32 @p1 $0x1  }
0x15: {  	[smem:$0x3FB0] =	sst s0;
	s0 =	simm.s32 @!p2 $0x0  }
0x16: {  	s3 =	sld [smem:$0x3FDB];
	s0 =	simm.s32 @p2 $0x1  }
0x17: {  	s4 =	simm.s32 $0x1BF5;
	[smem:$0x3FB2] =	sst s0  }
0x18: {  	s0 =	sld [smem:$0x3F95];
	_ =	swait.ge [sflag:s4], $0x0  }
0x19: {  	s7 =	sld [smem:$0x3F96]  }
0x1a: {  	s8 =	sadd.s32 $0xFFFFE003, lr  }
0x1b: {  	s9 =	sadd.s32 $0xFFFFFEF7, lr;
	s5 =	simm.s32 $0xFFFFFFFF;
	p2 =	slt.u32 s8, $0xFFFFF086  }
0x1c: {  	p1 =	slt.u32 s9, $0xF7A;
	s5 =	simm.s32 @!p2 $0x0  }
0x1d: {  	s5 =	simm.s32 @p1 $0x1;
	p0 =	seq.s32 s7, s2  }
0x1e: {  	s7 =	smul.u32 @!p0 $0xF7A, s2;
	p2 =	seq.s32 @!p0 s5, $0x0  }
0x1f: {  	s9 =	smul.u32 $0xF7A, s1;
	s8 =	simm.s32 @!p0 $0x1BF5;
	p2 =	por !p2, p0  }
0x20: {  	[sflag:s8] =	ssyncset.s32 @!p0 $0xFFFFF086;
	s6 =	sadd.s32 @!p0 s3, s7;
	s7 =	simm.s32 @!p0 $0x108  }
0x21: {  	s3 =	sadd.s32 s3, s9;
	s6 =	sadd.s32 @!p0 $0x88, s6;
	s7 =	simm.s32 @p2 $0x1082  }
0x22: {  	[simem:s7], [sflag:s8] =	dma.local @!p0 [hbm:s6], $0xF7A  }
0x23: {  	s9 =	sor.u32 $0xD0000000, s2;
	s6 =	simm.s32 $0x108;
	_ =	swait.ge @!p0 [sflag:s8], $0x0  }
0x24: {  	s3 =	sadd.s32 $0x88, s3;
	s6 =	simm.s32 @!p1 $0x1082;
	[sflag:s4] =	ssyncset.s32 $0xFFFFF086  }
0x25: {  	[simem:s6], [sflag:s4] =	dma.local [hbm:s3], $0xF7A  }
0x26: {  	[smem:$0x3F96] =	sst s1;
	(tag) =	ssettag s2;
	_ =	strace s9  }
0x27: {  	s1 =	sld [smem:$0x3FA6]  }
0x28: {  	s2 =	sld [smem:$0x3FA7]  }
0x29: {  	s4 =	sld [smem:$0x3FA9]  }
0x2a: {  	p0 =	seq.s32 s5, $0x0;
	s5 =	sld [smem:$0x3FAA]  }
0x2b: {  	s6 =	sld [smem:$0x3FAB]  }
0x2c: {  	s7 =	sld [smem:$0x3FAC]  }
0x2d: {  	s3 =	simm.s32 $0x108;
	s8 =	sld [smem:$0x3FAD]  }
0x2e: {  	s3 =	simm.s32 @!p0 $0x1082;
	s9 =	sld [smem:$0x3FAE]  }
0x2f: {  	lr =	sadd.s32 s0, s3;
	s0 =	sld [smem:$0x3FA5]  }
0x30: {  	s3 =	sld [smem:$0x3FA8]  }
0x31: {  	[smem:$0x3FB1] =	sst s10  }
0x32: {  	s10 =	sld [smem:$0x3FAF];
	_ =	sdelay $0x3  }
0x33: {  	p0 =	seq.s32 s10, $0x1;
	s10 =	sld [smem:$0x3FB1];
	_ =	sdelay $0x3  }
0x34: {  	[smem:$0x3FB1] =	sst s10  }
0x35: {  	s10 =	sld [smem:$0x3FB0];
	_ =	sdelay $0x3  }
0x36: {  	p1 =	seq.s32 s10, $0x1;
	s10 =	sld [smem:$0x3FB1];
	_ =	sdelay $0x3  }
0x37: {  	[smem:$0x3FB1] =	sst s10  }
0x38: {  	s10 =	sld [smem:$0x3FB2]  }
0x39: {  	_ = 	snop;
	(pc) =	sbr.ind lr, $3  }
0x3a: {  	_ = 	snop  }
0x3b: {  	_ = 	snop  }
0x3c: {  	p2 =	seq.s32 s10, $0x1;
	s10 =	sld [smem:$0x3FB1]  }
0x3d: {  	_ =	shalt  }
0x3e: {  	_ =	shalt  }
0x3f: {  	_ =	shalt  }
0x40: {  	_ =	shalt  }
0x41: {  	_ =	shalt  }
0x42: {  	_ =	shalt  }
0x43: {  	_ =	shalt  }
0x44: {  	_ =	shalt  }
0x45: {  	_ =	shalt  }
0x46: {  	_ =	shalt  }
0x47: {  	_ =	shalt  }
0x48: {  	_ =	shalt  }
0x49: {  	_ =	shalt  }
0x4a: {  	_ =	shalt  }
0x4b: {  	_ =	shalt  }
0x4c: {  	_ =	shalt  }
0x4d: {  	_ =	shalt  }
0x4e: {  	_ =	shalt  }
0x4f: {  	_ =	shalt  }
0x50: {  	_ =	shalt  }
0x51: {  	_ =	shalt  }
0x52: {  	_ =	shalt  }
0x53: {  	_ =	shalt  }
0x54: {  	_ =	shalt  }
0x55: {  	_ =	shalt  }
0x56: {  	_ =	shalt  }
0x57: {  	_ =	shalt  }
0x58: {  	_ =	shalt  }
0x59: {  	_ =	shalt  }
0x5a: {  	_ =	shalt  }
0x5b: {  	_ =	shalt  }
0x5c: {  	_ =	shalt  }
0x5d: {  	_ =	shalt  }
0x5e: {  	_ =	shalt  }
0x5f: {  	_ =	shalt  }
0x60: {  	_ =	shalt  }
0x61: {  	_ =	shalt  }
0x62: {  	_ =	shalt  }
0x63: {  	_ =	shalt  }
0x64: {  	_ =	shalt  }
0x65: {  	_ =	shalt  }
0x66: {  	_ =	shalt  }
0x67: {  	_ =	shalt  }
0x68: {  	_ =	shalt  }
0x69: {  	_ =	shalt  }
0x6a: {  	_ =	shalt  }
0x6b: {  	_ =	shalt  }
0x6c: {  	_ =	shalt  }
0x6d: {  	_ =	shalt  }
0x6e: {  	_ =	shalt  }
0x6f: {  	_ =	shalt  }
0x70: {  	_ =	shalt  }
0x71: {  	_ =	shalt  }
0x72: {  	_ =	shalt  }
0x73: {  	_ =	shalt  }
0x74: {  	_ =	shalt  }
0x75: {  	_ =	shalt  }
0x76: {  	_ =	shalt  }
0x77: {  	_ =	shalt  }
0x78: {  	_ =	shalt  }
0x79: {  	_ =	shalt  }
0x7a: {  	_ =	shalt  }
0x7b: {  	_ =	shalt  }
0x7c: {  	_ =	shalt  }
0x7d: {  	_ =	shalt  }
0x7e: {  	_ =	shalt  }
0x7f: {  	_ =	shalt  }
0x80: {  	_ =	shalt  }
0x81: {  	_ =	shalt  }
0x82: {  	_ =	shalt  }
0x83: {  	_ =	shalt  }
0x84: {  	_ =	shalt  }
0x85: {  	_ =	shalt  }
0x86: {  	_ =	shalt  }
0x87: {  	_ =	shalt  }
.Lfunc_end0:
.L_simem_size_0:
called_computation.2_lowered:
.L_overlay_start_0:
0x88: {  	s2 =	sld [smem:$0x3FD9]  }
0x89: {  	s3 =	sld [smem:$0x3FFE];
	_ =	sdelay $0x1  }
0x8a: {  	s1 =	srdreg.scid  }
0x8b: {  	s0 =	sand.u32 $0x1, s1  }
0x8c: {  	s17 =	sshll.u32 s0, $0xA;
	s2 =	sadd.s32 s3, s2  }
0x8d: {  	s2 =	sadd.s32 s2, s17  }
0x8e: {  	[smem:$0x3FBD] =	sst s2  }
0x8f: {  	_ = 	snop  }
0x90: {  	s2 =	sld [smem:$0x3FD0];
	(tm) =	ssettm $0x1  }
0x91: {  	s18 =	sld [smem:$0x3FFB];
	_ =	sdelay $0x3  }
0x92: {  	_ =	strace s18  }
0x93: {  	s3 =	sld [smem:$0x3FFC];
	_ =	sdelay $0x3  }
0x94: {  	_ =	strace s3  }
0x95: {  	s3 =	sld [smem:$0x3FFD];
	_ =	sdelay $0x3  }
0x96: {  	_ =	strace s3  }
0x97: {  	_ =	strace $0x8FFFFFFF  }
0x98: {  	s19 =	sld [smem:$0x3FDB];
	_ =	sdelay $0x1  }
0x99: {  	s4 =	simm.s32 $_scs_section_size  }
0x9a: {  	s5 =	simm.s32 $_size__tile_overlayer_lowered;
	s6 =	simm.s32 $_tile_overlayer_lowered  }
0x9b: {  	s22 =	simm.s32 $0x1BFF;
	s21 =	sshll.u32 s6, $0x1;
	s3 =	sadd.s32 s4, s19  }
0x9c: {  	s7 =	simm.s32 $0x0;
	s20 =	sshll.u32 s5, $0x1;
	s5 =	sadd.s32 s21, s3  }
0x9d: {  	[timem:s7], [sflag:s22] =	dma.local [hbm:s5], s20  }
0x9e: {  	_ =	swait.ge [sflag:s22], s20  }
0x9f: {  	s4 =	ssub.s32 $0x0, s20;
	[sflag:s22] =	ssyncset.done $0x0  }
0xa0: {  	[sflag:s22] =	ssyncadd.s32 s4;
	_ =	sdelay $0x1  }
0xa1: {  	s23 =	simm.s32 $0x1B8B  }
0xa2: {  	_ =	swait.ge [sflag:s23], $0x1  }
0xa3: {  	[sflag:s23] =	ssyncset.done $0x0  }
0xa4: {  	s25 =	simm.s32 $0x1B8E;
	s24 =	sld [smem:$0x3FFE];
	[sflag:s23] =	ssyncadd.s32 $0xFFFFFFFF  }
0xa5: {  	s26 =	simm.s32 $execute0_lowered;
	[smem:$0x3FD2] =	sst s25  }
0xa6: {  	s5 =	sshll.u32 s26, $0x1;
	_ =	strace $0x8000004C;
	[dreg:$0x1] =	wrdreg $0xFFFFFFFF  }
0xa7: {  	s28 =	simm.s32 $_size_execute0_lowered;
	s3 =	sadd.s32 s3, s5;
	[dreg:$0x0] =	wrdreg $0x0  }
0xa8: {  	s5 =	sshll.u32 s28, $0x1;
	[dreg:$0x2] =	wrdreg s3  }
0xa9: {  	[dreg:$0x3] =	wrdreg s5  }
0xaa: {  	[dreg:$0x4] =	wrdreg $0xC0  }
0xab: {  	_ =	task [dreg:s7], $0x5FFFF  }
0xac: {  	[dreg:$0x1] =	wrdreg $0xFFFFFFFF  }
0xad: {  	[dreg:$0x0] =	wrdreg $0x60  }
0xae: {  	[dreg:$0x2] =	wrdreg s2  }
0xaf: {  	[dreg:$0x3] =	wrdreg s24  }
0xb0: {  	[dreg:$0x4] =	wrdreg $0x0  }
0xb1: {  	[dreg:$0x5] =	wrdreg $0x9  }
0xb2: {  	_ =	task.clear_ibuf [dreg:s7], $0x6FFFF;
	_ =	strace $0x9000004C  }
0xb3: {  	s29 =	simm.s32 $0x9;
	_ =	strace $0x8000004E  }
0xb4: {  	_ =	swait.ge [sflag:s29], $0x1  }
0xb5: {  	[sflag:s29] =	ssyncadd.s32 $0xFFFFFFFF  }
0xb6: {  	_ =	strace $0x9000004E  }
0xb7: {  	_ =	sfence  }
0xb8: {  	s30 =	sld [smem:$0x0];
	_ =	sdelay $0x2  }
0xb9: {  	s31 =	sshll.u32 s1, $0xD;
	s1 =	sshrl.u32 s1, $0x2  }
0xba: {  	s3 =	sand.u32 $0x4000, s31;
	s1 =	sadd.s32 s1, s30  }
0xbb: {  	s0 =	sor.u32 s3, s0;
	s1 =	sshll.u32 s1, $0x11  }
0xbc: {  	s0 =	sor.u32 s1, s0  }
0xbd: {  	s0 =	sadd.s32 $0x8F2B, s0  }
0xbe: {  	[sflag:s0] =	ssyncadd.remote.s32 $0x1  }
0xbf: {  	_ =	sfence.sel $0xFFFF  }
0xc0: {  	[dreg:$0x0] =	wrdreg $0xFFFFFFFF;
	(pc) =	sbr.abs _section_cstart, $3  }
0xc1: {  	[dreg:$0x1] =	wrdreg $0xFFFFFFFF  }
0xc2: {  	_ =	task.clear_ibuf [dreg:s7], $0x2FFFF;
	_ =	strace $0x9FFFFFFF  }
0xc3: {  	(tm) =	ssettm $0x7FFFFFFF  }
tec
execute0_lowered:
.L_overlay_start_1:
0x0: {  	(tag) =	ssettag $0x1  }
0x1: {  	s1 =	rddreg [dreg:$0x0]  }
0x2: {  	s0 =	rddreg [dreg:$0x1]  }
0x3: {  	s3 =	rddreg [dreg:$0x2]  }
0x4: {  	s4 =	simm.s32 $0x0;
	s13 =	stileid.u32;
	s2 =	srdreg.scid  }
0x5: {  	s28 =	simm.s32 $0x16C00;
	s29 =	simm.s32 $0x19400;
	s30 =	simm.s32 $0x1BC00  }
0x6: {  	s31 =	simm.s32 $0x2;
	[smem:$0x7FF] =	sst s4;
	s5 =	smul.u32 $0x14000, s13  }
0x7: {  	s2 =	sand.u32 $0x1, s2;
	s8 =	sadd.s32 $0xD000, s0;
	s10 =	smul.u32 $0x50000, s13  }
0x8: {  	s9 =	sadd.s32 $0x3200, s0;
	s25 =	sshll.u32 s13, $0x1;
	s12 =	smul.u32 $0x4E20, s13  }
0x9: {  	s14 =	sshll.u32 s13, $0x6;
	s6 =	smul.u32 $0x140000, s2;
	s26 =	ssub.s32 $0x2, s2  }
0xa: {  	_ =	strace $0x8000004D;
	s7 =	sshrl.u32 s5, $0x3;
	s11 =	sshrl.u32 s26, $0x1  }
0xb: {  	s10 =	sshrl.u32 s10, $0x2;
	s7 =	sadd.s32 s7, s0;
	s5 =	sadd.s32 s5, s6  }
0xc: {  	s6 =	sor.u32 s2, s25;
	s10 =	sadd.s32 s10, s3;
	s2 =	smul.u32 $0x2710, s2  }
0xd: {  	s5 =	sshrl.u32 s5, $0x3;
	s6 =	smul.u32 $0x2710, s6;
	[dreg:$0x9] =	wrdreg s10  }
0xe: {  	s7 =	sadd.s32 $0x16E00, s7;
	s0 =	sadd.s32 s5, s0;
	s5 =	ssub.s32 s26, s11  }
0xf: {  	[dreg:$0xa] =	wrdreg s7;
	s7 =	sor.u32 $0x1C04, s14;
	s2 =	sadd.s32 s2, s12  }
0x10: {  	s6 =	sshrl.u32 s6, $0x3;
	s16 =	sshrl.u32 s2, $0x3;
	s0 =	sadd.s32 $0x3EE00, s0  }
0x11: {  	s18 =	sadd.s32 $0xF0, s2;
	s22 =	sadd.s32 $0xA0, s2;
	s2 =	sadd.s32 $0x50, s2  }
0x12: {  	s5 =	smax.u32 s5, $0x1;
	[dreg:$0xb] =	wrdreg s7;
	s6 =	sadd.s32 $0x4D8, s6  }
0x13: {  	[dreg:$0xe] =	wrdreg s0;
	s17 =	sadd.s32 s16, s8;
	s19 =	sadd.s32 s16, s9  }
0x14: {  	s20 =	sshrl.u32 s18, $0x3;
	s24 =	sshrl.u32 s22, $0x3;
	[dreg:$0xf] =	wrdreg s5  }
0x15: {  	s26 =	sshrl.u32 s2, $0x3;
	s16 =	simm.s32 $0x14200;
	s18 =	simm.s32 $0x14280  }
0x16: {  	s22 =	simm.s32 $0x14380;
	s0 =	simm.s32 $0x3;
	s2 =	simm.s32 $0x0  }
0x17: {  	s15 =	sadd.s32 s9, s6;
	s6 =	sadd.s32 s8, s6;
	[dreg:$0x4] =	wrdreg s17  }
0x18: {  	[dreg:$0x5] =	wrdreg s19;
	s21 =	sadd.s32 s20, s8;
	s23 =	sadd.s32 s20, s9  }
0x19: {  	s25 =	sadd.s32 s24, s8;
	s12 =	sadd.s32 s24, s9;
	[dreg:$0xc] =	wrdreg s15  }
0x1a: {  	s13 =	sadd.s32 s26, s8;
	s14 =	sadd.s32 s26, s9;
	[dreg:$0xd] =	wrdreg s6  }
0x1b: {  	s17 =	simm.s32 $0x14000;
	s19 =	simm.s32 $0x14080;
	[dreg:$0x6] =	wrdreg s21  }
0x1c: {  	s20 =	simm.s32 $0x14300;
	s24 =	simm.s32 $0x1;
	[dreg:$0x7] =	wrdreg s23  }
0x1d: {  	s26 =	simm.s32 $0x14400;
	[dreg:$0x8] =	wrdreg s25;
	s15 =	simm.s32 $0x4  }
0x1e: {  	s21 =	simm.s32 $0x14100;
	s23 =	simm.s32 $0x14180;
	s25 =	simm.s32 $0x50  }
.LBB2_1:
0x1f: {  	s5 =	rddreg [dreg:$0x9]  }
0x20: {  	s6 =	rddreg [dreg:$0xa];
	s5 =	sshrl.u32 s5, $0x3  }
0x21: {  	[spmem:s5], [sflag:s7] =	dma.local [hbm:s6], $0x2800  }
0x22: {  	_ =	swait.ge [sflag:s15], $0x2800  }
0x23: {  	[sflag:s15] =	ssyncset.done $0x0  }
0x24: {  	[sflag:s15] =	ssyncadd.s32 $0xFFFFD800  }
0x25: {  	[bflag:$0x0] =	sbarrier.arrive $0xFFFF  }
0x26: {  	s7 =	rddreg [dreg:$0x5]  }
0x27: {  	s8 =	rddreg [dreg:$0x4];
	s6 =	sadd.s32 $0x0, s7  }
0x28: {  	[tilespmem:s16], [sflag:$0x1] =	stream.linear.gather [hbm4b:s6+s4], $0x50, $0x38;
	[tilespmem:$0x1E400] =	vst v63  }
0x29: {  	s9 =	sadd.s32 $0x0, s8  }
0x2a: {  	[tilespmem:s17], [sflag:$0x1] =	stream.linear.gather [hbm4b:s9+s4], $0x50, $0x38;
	[tilespmem:$0x1E400] =	vst v63  }
0x2b: {  	s10 =	sadd.s32 $0x0, s14  }
0x2c: {  	[tilespmem:s18], [sflag:$0x1] =	stream.linear.gather [hbm4b:s10+s4], $0x50, $0x38;
	[tilespmem:$0x1E400] =	vst v63  }
0x2d: {  	s11 =	sadd.s32 $0x0, s13  }
0x2e: {  	[tilespmem:s19], [sflag:$0x1] =	stream.linear.gather [hbm4b:s11+s4], $0x50, $0x38;
	[tilespmem:$0x1E400] =	vst v63  }
0x2f: {  	s7 =	rddreg [dreg:$0x8];
	s10 =	sadd.s32 $0x0, s12  }
0x30: {  	[tilespmem:s20], [sflag:$0x1] =	stream.linear.gather [hbm4b:s10+s4], $0x50, $0x38;
	[tilespmem:$0x1E400] =	vst v63  }
0x31: {  	s9 =	rddreg [dreg:$0x7];
	s11 =	sadd.s32 $0x0, s7  }
0x32: {  	[tilespmem:s21], [sflag:$0x1] =	stream.linear.gather [hbm4b:s11+s4], $0x50, $0x38;
	[tilespmem:$0x1E400] =	vst v63  }
0x33: {  	s7 =	rddreg [dreg:$0x6];
	s10 =	sadd.s32 $0x0, s9  }
0x34: {  	[tilespmem:s22], [sflag:$0x1] =	stream.linear.gather [hbm4b:s10+s4], $0x50, $0x38;
	[tilespmem:$0x1E400] =	vst v63  }
0x35: {  	s11 =	sadd.s32 $0x0, s7  }
0x36: {  	[tilespmem:s23], [sflag:$0x1] =	stream.linear.gather [hbm4b:s11+s4], $0x50, $0x38;
	[tilespmem:$0x1E400] =	vst v63  }
0x37: {  	_ =	swait.ge [sflag:s24], $0x50  }
0x38: {  	[sflag:s24] =	ssyncset.done $0x0  }
0x39: {  	[sflag:s24] =	ssyncadd.s32 $0xFFFFFFB0  }
0x3a: {  	_ =	swait.ge [sflag:s24], $0x50  }
0x3b: {  	[sflag:s24] =	ssyncset.done $0x0  }
0x3c: {  	[sflag:s24] =	ssyncadd.s32 $0xFFFFFFB0  }
0x3d: {  	[tilespmem:s26], [sflag:$0x2] =	stream.indirect.gather [hbm4b:s1+s25], $0x80, s17, s25, $0xb8;
	[tilespmem:$0x1E400] =	vst v63  }
0x3e: {  	_ =	swait.ge [sflag:s24], $0x50  }
0x3f: {  	[sflag:s24] =	ssyncset.done $0x0  }
0x40: {  	[sflag:s24] =	ssyncadd.s32 $0xFFFFFFB0  }
0x41: {  	_ =	swait.ge [sflag:s24], $0x50  }
0x42: {  	[sflag:s24] =	ssyncset.done $0x0  }
0x43: {  	[sflag:s24] =	ssyncadd.s32 $0xFFFFFFB0  }
0x44: {  	[tilespmem:s28], [sflag:$0x2] =	stream.indirect.gather [hbm4b:s1+s25], $0x80, s19, s25, $0xb8;
	[tilespmem:$0x1E400] =	vst v63  }
0x45: {  	_ =	swait.ge [sflag:s24], $0x50  }
0x46: {  	[sflag:s24] =	ssyncset.done $0x0  }
0x47: {  	[sflag:s24] =	ssyncadd.s32 $0xFFFFFFB0  }
0x48: {  	_ =	swait.ge [sflag:s24], $0x50  }
0x49: {  	[sflag:s24] =	ssyncset.done $0x0  }
0x4a: {  	[sflag:s24] =	ssyncadd.s32 $0xFFFFFFB0  }
0x4b: {  	[tilespmem:s29], [sflag:$0x2] =	stream.indirect.gather [hbm4b:s1+s25], $0x80, s21, s25, $0xb8;
	[tilespmem:$0x1E400] =	vst v63  }
0x4c: {  	_ =	swait.ge [sflag:s24], $0x50  }
0x4d: {  	[sflag:s24] =	ssyncset.done $0x0  }
0x4e: {  	[sflag:s24] =	ssyncadd.s32 $0xFFFFFFB0  }
0x4f: {  	_ =	swait.ge [sflag:s24], $0x50  }
0x50: {  	[sflag:s24] =	ssyncset.done $0x0  }
0x51: {  	[sflag:s24] =	ssyncadd.s32 $0xFFFFFFB0  }
0x52: {  	[tilespmem:s30], [sflag:$0x2] =	stream.indirect.gather [hbm4b:s1+s25], $0x80, s23, s25, $0xb8;
	[tilespmem:$0x1E400] =	vst v63  }
0x53: {  	_ =	swait.ge [sflag:s31], $0x2800  }
0x54: {  	[sflag:s31] =	ssyncset.done $0x0  }
0x55: {  	[sflag:s31] =	ssyncadd.s32 $0xFFFFD800  }
0x56: {  	[spmem:s3] =	stream.indirect.scatter.add.f32 [tilespmem:s26], [sflag:$0x3], $0x80, s16, s25, $0xb8;
	[tilespmem:$0x1E400] =	vst v63  }
0x57: {  	_ =	swait.ge [sflag:s31], $0x2800  }
0x58: {  	[sflag:s31] =	ssyncset.done $0x0  }
0x59: {  	[sflag:s31] =	ssyncadd.s32 $0xFFFFD800  }
0x5a: {  	[spmem:s3] =	stream.indirect.scatter.add.f32 [tilespmem:s28], [sflag:$0x3], $0x80, s18, s25, $0xb8;
	[tilespmem:$0x1E400] =	vst v63  }
0x5b: {  	_ =	swait.ge [sflag:s31], $0x2800  }
0x5c: {  	[sflag:s31] =	ssyncset.done $0x0  }
0x5d: {  	[sflag:s31] =	ssyncadd.s32 $0xFFFFD800  }
0x5e: {  	[spmem:s3] =	stream.indirect.scatter.add.f32 [tilespmem:s29], [sflag:$0x3], $0x80, s20, s25, $0xb8;
	[tilespmem:$0x1E400] =	vst v63  }
0x5f: {  	_ =	swait.ge [sflag:s31], $0x2800  }
0x60: {  	[sflag:s31] =	ssyncset.done $0x0  }
0x61: {  	[sflag:s31] =	ssyncadd.s32 $0xFFFFD800  }
0x62: {  	[spmem:s3] =	stream.indirect.scatter.add.f32 [tilespmem:s30], [sflag:$0x3], $0x80, s22, s25, $0xb8;
	[tilespmem:$0x1E400] =	vst v63  }
0x63: {  	_ =	swait.ge [sflag:s0], $0x2800  }
0x64: {  	[sflag:s0] =	ssyncset.done $0x0  }
0x65: {  	[sflag:s0] =	ssyncadd.s32 $0xFFFFD800  }
0x66: {  	_ =	swait.ge [sflag:s0], $0x2800  }
0x67: {  	[sflag:s0] =	ssyncset.done $0x0  }
0x68: {  	[sflag:s0] =	ssyncadd.s32 $0xFFFFD800  }
0x69: {  	_ =	swait.ge [sflag:s0], $0x2800  }
0x6a: {  	[sflag:s0] =	ssyncset.done $0x0  }
0x6b: {  	[sflag:s0] =	ssyncadd.s32 $0xFFFFD800  }
0x6c: {  	s8 =	simm.s32 $0x50;
	_ =	swait.ge [sflag:s0], $0x2800  }
0x6d: {  	s6 =	simm.s32 $0x28;
	s9 =	rddreg [dreg:$0x5];
	[sflag:s0] =	ssyncset.done $0x0  }
.LBB2_2:
0x6e: {  	[sflag:s0] =	ssyncadd.s32 $0xFFFFD800;
	s11 =	rddreg [dreg:$0x4];
	s9 =	sadd.s32 s6, s9  }
0x6f: {  	[tilespmem:s16], [sflag:$0x1] =	stream.linear.gather [hbm4b:s9+s4], $0x50, $0x38;
	[tilespmem:$0x1E400] =	vst v63  }
0x70: {  	s7 =	sadd.s32 s6, s11  }
0x71: {  	[tilespmem:s17], [sflag:$0x1] =	stream.linear.gather [hbm4b:s7+s4], $0x50, $0x38;
	[tilespmem:$0x1E400] =	vst v63  }
0x72: {  	s11 =	sadd.s32 s6, s14  }
0x73: {  	[tilespmem:s18], [sflag:$0x1] =	stream.linear.gather [hbm4b:s11+s4], $0x50, $0x38;
	[tilespmem:$0x1E400] =	vst v63  }
0x74: {  	s7 =	sadd.s32 s6, s13  }
0x75: {  	[tilespmem:s19], [sflag:$0x1] =	stream.linear.gather [hbm4b:s7+s4], $0x50, $0x38;
	[tilespmem:$0x1E400] =	vst v63  }
0x76: {  	s9 =	sadd.s32 s6, s12;
	s11 =	rddreg [dreg:$0x8]  }
0x77: {  	[tilespmem:s20], [sflag:$0x1] =	stream.linear.gather [hbm4b:s9+s4], $0x50, $0x38;
	[tilespmem:$0x1E400] =	vst v63  }
0x78: {  	s7 =	rddreg [dreg:$0x7];
	s9 =	sadd.s32 s6, s11  }
0x79: {  	[tilespmem:s21], [sflag:$0x1] =	stream.linear.gather [hbm4b:s9+s4], $0x50, $0x38;
	[tilespmem:$0x1E400] =	vst v63  }
0x7a: {  	s7 =	sadd.s32 s6, s7;
	s11 =	rddreg [dreg:$0x6]  }
0x7b: {  	[tilespmem:s22], [sflag:$0x1] =	stream.linear.gather [hbm4b:s7+s4], $0x50, $0x38;
	[tilespmem:$0x1E400] =	vst v63  }
0x7c: {  	s11 =	sadd.s32 s6, s11  }
0x7d: {  	[tilespmem:s23], [sflag:$0x1] =	stream.linear.gather [hbm4b:s11+s4], $0x50, $0x38;
	[tilespmem:$0x1E400] =	vst v63  }
0x7e: {  	_ =	swait.ge [sflag:s24], $0x50  }
0x7f: {  	[sflag:s24] =	ssyncset.done $0x0  }
0x80: {  	[sflag:s24] =	ssyncadd.s32 $0xFFFFFFB0  }
0x81: {  	_ =	swait.ge [sflag:s24], $0x50  }
0x82: {  	[sflag:s24] =	ssyncset.done $0x0  }
0x83: {  	[sflag:s24] =	ssyncadd.s32 $0xFFFFFFB0  }
0x84: {  	[tilespmem:s26], [sflag:$0x2] =	stream.indirect.gather [hbm4b:s1+s25], $0x80, s17, s25, $0xb8;
	[tilespmem:$0x1E400] =	vst v63  }
0x85: {  	_ =	swait.ge [sflag:s24], $0x50  }
0x86: {  	[sflag:s24] =	ssyncset.done $0x0  }
0x87: {  	[sflag:s24] =	ssyncadd.s32 $0xFFFFFFB0  }
0x88: {  	_ =	swait.ge [sflag:s24], $0x50  }
0x89: {  	[sflag:s24] =	ssyncset.done $0x0  }
0x8a: {  	[sflag:s24] =	ssyncadd.s32 $0xFFFFFFB0  }
0x8b: {  	[tilespmem:s28], [sflag:$0x2] =	stream.indirect.gather [hbm4b:s1+s25], $0x80, s19, s25, $0xb8;
	[tilespmem:$0x1E400] =	vst v63  }
0x8c: {  	_ =	swait.ge [sflag:s24], $0x50  }
0x8d: {  	[sflag:s24] =	ssyncset.done $0x0  }
0x8e: {  	[sflag:s24] =	ssyncadd.s32 $0xFFFFFFB0  }
0x8f: {  	_ =	swait.ge [sflag:s24], $0x50  }
0x90: {  	[sflag:s24] =	ssyncset.done $0x0  }
0x91: {  	[sflag:s24] =	ssyncadd.s32 $0xFFFFFFB0  }
0x92: {  	[tilespmem:s29], [sflag:$0x2] =	stream.indirect.gather [hbm4b:s1+s25], $0x80, s21, s25, $0xb8;
	[tilespmem:$0x1E400] =	vst v63  }
0x93: {  	_ =	swait.ge [sflag:s24], $0x50  }
0x94: {  	[sflag:s24] =	ssyncset.done $0x0  }
0x95: {  	[sflag:s24] =	ssyncadd.s32 $0xFFFFFFB0  }
0x96: {  	_ =	swait.ge [sflag:s24], $0x50  }
0x97: {  	[sflag:s24] =	ssyncset.done $0x0  }
0x98: {  	[sflag:s24] =	ssyncadd.s32 $0xFFFFFFB0  }
0x99: {  	[tilespmem:s30], [sflag:$0x2] =	stream.indirect.gather [hbm4b:s1+s25], $0x80, s23, s25, $0xb8;
	[tilespmem:$0x1E400] =	vst v63  }
0x9a: {  	_ =	swait.ge [sflag:s31], $0x2800  }
0x9b: {  	[sflag:s31] =	ssyncset.done $0x0  }
0x9c: {  	[sflag:s31] =	ssyncadd.s32 $0xFFFFD800  }
0x9d: {  	[spmem:s3] =	stream.indirect.scatter.add.f32 [tilespmem:s26], [sflag:$0x3], $0x80, s16, s25, $0xb8;
	[tilespmem:$0x1E400] =	vst v63  }
0x9e: {  	_ =	swait.ge [sflag:s31], $0x2800  }
0x9f: {  	[sflag:s31] =	ssyncset.done $0x0  }
0xa0: {  	[sflag:s31] =	ssyncadd.s32 $0xFFFFD800  }
0xa1: {  	[spmem:s3] =	stream.indirect.scatter.add.f32 [tilespmem:s28], [sflag:$0x3], $0x80, s18, s25, $0xb8;
	[tilespmem:$0x1E400] =	vst v63  }
0xa2: {  	_ =	swait.ge [sflag:s31], $0x2800  }
0xa3: {  	[sflag:s31] =	ssyncset.done $0x0  }
0xa4: {  	[sflag:s31] =	ssyncadd.s32 $0xFFFFD800  }
0xa5: {  	[spmem:s3] =	stream.indirect.scatter.add.f32 [tilespmem:s29], [sflag:$0x3], $0x80, s20, s25, $0xb8;
	[tilespmem:$0x1E400] =	vst v63  }
0xa6: {  	_ =	swait.ge [sflag:s31], $0x2800  }
0xa7: {  	[sflag:s31] =	ssyncset.done $0x0  }
0xa8: {  	[sflag:s31] =	ssyncadd.s32 $0xFFFFD800  }
0xa9: {  	[spmem:s3] =	stream.indirect.scatter.add.f32 [tilespmem:s30], [sflag:$0x3], $0x80, s22, s25, $0xb8;
	[tilespmem:$0x1E400] =	vst v63  }
0xaa: {  	_ =	swait.ge [sflag:s0], $0x2800  }
0xab: {  	[sflag:s0] =	ssyncset.done $0x0  }
0xac: {  	[sflag:s0] =	ssyncadd.s32 $0xFFFFD800  }
0xad: {  	_ =	swait.ge [sflag:s0], $0x2800  }
0xae: {  	[sflag:s0] =	ssyncset.done $0x0  }
0xaf: {  	p0 =	sne.s32 s8, $0x4B0;
	[sflag:s0] =	ssyncadd.s32 $0xFFFFD800  }
.Ltmp0:
0xb0: {  	_ =	swait.ge [sflag:s0], $0x2800;
	(pc) =	sbr.rel @p0 .LBB2_2-.Ltmp0, $4  }
0xb1: {  	[sflag:s0] =	ssyncset.done $0x0  }
0xb2: {  	[sflag:s0] =	ssyncadd.s32 $0xFFFFD800  }
0xb3: {  	s10 =	smov.u32 s8;
	s8 =	sadd.s32 $0x28, s8;
	_ =	swait.ge [sflag:s0], $0x2800  }
0xb4: {  	s6 =	smov.u32 s10;
	s9 =	rddreg [dreg:$0x5];
	[sflag:s0] =	ssyncset.done $0x0  }
0xb5: {  	s7 =	rddreg [dreg:$0x4];
	[sflag:s0] =	ssyncadd.s32 $0xFFFFD800;
	s8 =	sadd.s32 s6, s9  }
0xb6: {  	[tilespmem:s16], [sflag:$0x1] =	stream.linear.gather [hbm4b:s8+s4], $0x50, $0x38;
	[tilespmem:$0x1E400] =	vst v63  }
0xb7: {  	s7 =	sadd.s32 s6, s7  }
0xb8: {  	[tilespmem:s17], [sflag:$0x1] =	stream.linear.gather [hbm4b:s7+s4], $0x50, $0x38;
	[tilespmem:$0x1E400] =	vst v63  }
0xb9: {  	s9 =	sadd.s32 s6, s14  }
0xba: {  	[tilespmem:s18], [sflag:$0x1] =	stream.linear.gather [hbm4b:s9+s4], $0x50, $0x38;
	[tilespmem:$0x1E400] =	vst v63  }
0xbb: {  	s10 =	sadd.s32 s6, s13  }
0xbc: {  	[tilespmem:s19], [sflag:$0x1] =	stream.linear.gather [hbm4b:s10+s4], $0x50, $0x38;
	[tilespmem:$0x1E400] =	vst v63  }
0xbd: {  	s11 =	rddreg [dreg:$0x8];
	s9 =	sadd.s32 s6, s12  }
0xbe: {  	[tilespmem:s20], [sflag:$0x1] =	stream.linear.gather [hbm4b:s9+s4], $0x50, $0x38;
	[tilespmem:$0x1E400] =	vst v63  }
0xbf: {  	s8 =	sadd.s32 s6, s11;
	s10 =	rddreg [dreg:$0x7]  }
0xc0: {  	[tilespmem:s21], [sflag:$0x1] =	stream.linear.gather [hbm4b:s8+s4], $0x50, $0x38;
	[tilespmem:$0x1E400] =	vst v63  }
0xc1: {  	s11 =	rddreg [dreg:$0x6];
	s7 =	sadd.s32 s6, s10  }
0xc2: {  	[tilespmem:s22], [sflag:$0x1] =	stream.linear.gather [hbm4b:s7+s4], $0x50, $0x38;
	[tilespmem:$0x1E400] =	vst v63  }
0xc3: {  	s7 =	sadd.s32 s6, s11  }
0xc4: {  	[tilespmem:s23], [sflag:$0x1] =	stream.linear.gather [hbm4b:s7+s4], $0x50, $0x38;
	[tilespmem:$0x1E400] =	vst v63  }
0xc5: {  	_ =	swait.ge [sflag:s24], $0x50  }
0xc6: {  	[sflag:s24] =	ssyncset.done $0x0  }
0xc7: {  	[sflag:s24] =	ssyncadd.s32 $0xFFFFFFB0  }
0xc8: {  	_ =	swait.ge [sflag:s24], $0x50  }
0xc9: {  	[sflag:s24] =	ssyncset.done $0x0  }
0xca: {  	[sflag:s24] =	ssyncadd.s32 $0xFFFFFFB0  }
0xcb: {  	[tilespmem:s26], [sflag:$0x2] =	stream.indirect.gather [hbm4b:s1+s25], $0x80, s17, s25, $0xb8;
	[tilespmem:$0x1E400] =	vst v63  }
0xcc: {  	_ =	swait.ge [sflag:s24], $0x50  }
0xcd: {  	[sflag:s24] =	ssyncset.done $0x0  }
0xce: {  	[sflag:s24] =	ssyncadd.s32 $0xFFFFFFB0  }
0xcf: {  	_ =	swait.ge [sflag:s24], $0x50  }
0xd0: {  	[sflag:s24] =	ssyncset.done $0x0  }
0xd1: {  	[sflag:s24] =	ssyncadd.s32 $0xFFFFFFB0  }
0xd2: {  	[tilespmem:s28], [sflag:$0x2] =	stream.indirect.gather [hbm4b:s1+s25], $0x80, s19, s25, $0xb8;
	[tilespmem:$0x1E400] =	vst v63  }
0xd3: {  	_ =	swait.ge [sflag:s24], $0x50  }
0xd4: {  	[sflag:s24] =	ssyncset.done $0x0  }
0xd5: {  	[sflag:s24] =	ssyncadd.s32 $0xFFFFFFB0  }
0xd6: {  	_ =	swait.ge [sflag:s24], $0x50  }
0xd7: {  	[sflag:s24] =	ssyncset.done $0x0  }
0xd8: {  	[sflag:s24] =	ssyncadd.s32 $0xFFFFFFB0  }
0xd9: {  	[tilespmem:s29], [sflag:$0x2] =	stream.indirect.gather [hbm4b:s1+s25], $0x80, s21, s25, $0xb8;
	[tilespmem:$0x1E400] =	vst v63  }
0xda: {  	_ =	swait.ge [sflag:s24], $0x50  }
0xdb: {  	[sflag:s24] =	ssyncset.done $0x0  }
0xdc: {  	[sflag:s24] =	ssyncadd.s32 $0xFFFFFFB0  }
0xdd: {  	_ =	swait.ge [sflag:s24], $0x50  }
0xde: {  	[sflag:s24] =	ssyncset.done $0x0  }
0xdf: {  	[sflag:s24] =	ssyncadd.s32 $0xFFFFFFB0  }
0xe0: {  	[tilespmem:s30], [sflag:$0x2] =	stream.indirect.gather [hbm4b:s1+s25], $0x80, s23, s25, $0xb8;
	[tilespmem:$0x1E400] =	vst v63  }
0xe1: {  	_ =	swait.ge [sflag:s31], $0x2800  }
0xe2: {  	[sflag:s31] =	ssyncset.done $0x0  }
0xe3: {  	[sflag:s31] =	ssyncadd.s32 $0xFFFFD800  }
0xe4: {  	[spmem:s3] =	stream.indirect.scatter.add.f32 [tilespmem:s26], [sflag:$0x3], $0x80, s16, s25, $0xb8;
	[tilespmem:$0x1E400] =	vst v63  }
0xe5: {  	_ =	swait.ge [sflag:s31], $0x2800  }
0xe6: {  	[sflag:s31] =	ssyncset.done $0x0  }
0xe7: {  	[sflag:s31] =	ssyncadd.s32 $0xFFFFD800  }
0xe8: {  	[spmem:s3] =	stream.indirect.scatter.add.f32 [tilespmem:s28], [sflag:$0x3], $0x80, s18, s25, $0xb8;
	[tilespmem:$0x1E400] =	vst v63  }
0xe9: {  	_ =	swait.ge [sflag:s31], $0x2800  }
0xea: {  	[sflag:s31] =	ssyncset.done $0x0  }
0xeb: {  	[sflag:s31] =	ssyncadd.s32 $0xFFFFD800  }
0xec: {  	[spmem:s3] =	stream.indirect.scatter.add.f32 [tilespmem:s29], [sflag:$0x3], $0x80, s20, s25, $0xb8;
	[tilespmem:$0x1E400] =	vst v63  }
0xed: {  	_ =	swait.ge [sflag:s31], $0x2800  }
0xee: {  	[sflag:s31] =	ssyncset.done $0x0  }
0xef: {  	[sflag:s31] =	ssyncadd.s32 $0xFFFFD800  }
0xf0: {  	[spmem:s3] =	stream.indirect.scatter.add.f32 [tilespmem:s30], [sflag:$0x3], $0x80, s22, s25, $0xb8;
	[tilespmem:$0x1E400] =	vst v63  }
0xf1: {  	_ =	swait.ge [sflag:s0], $0x2800  }
0xf2: {  	[sflag:s0] =	ssyncset.done $0x0  }
0xf3: {  	[sflag:s0] =	ssyncadd.s32 $0xFFFFD800  }
0xf4: {  	_ =	swait.ge [sflag:s0], $0x2800  }
0xf5: {  	[sflag:s0] =	ssyncset.done $0x0  }
0xf6: {  	[sflag:s0] =	ssyncadd.s32 $0xFFFFD800  }
0xf7: {  	_ =	swait.ge [sflag:s0], $0x2800  }
0xf8: {  	[sflag:s0] =	ssyncset.done $0x0  }
0xf9: {  	[sflag:s0] =	ssyncadd.s32 $0xFFFFD800  }
0xfa: {  	_ =	swait.ge [sflag:s0], $0x2800  }
0xfb: {  	[sflag:s0] =	ssyncset.done $0x0  }
0xfc: {  	s8 =	rddreg [dreg:$0xc];
	[sflag:s0] =	ssyncadd.s32 $0xFFFFD800  }
0xfd: {  	[tilespmem:s16], [sflag:$0x1] =	stream.linear.gather [hbm4b:s8+s4], $0x50, $0x38;
	[tilespmem:$0x1E400] =	vst v63  }
0xfe: {  	s9 =	rddreg [dreg:$0xd]  }
0xff: {  	[tilespmem:s17], [sflag:$0x1] =	stream.linear.gather [hbm4b:s9+s4], $0x50, $0x38;
	[tilespmem:$0x1E400] =	vst v63  }
0x100: {  	_ =	swait.ge [sflag:s24], $0x50  }
0x101: {  	[sflag:s24] =	ssyncset.done $0x0  }
0x102: {  	[sflag:s24] =	ssyncadd.s32 $0xFFFFFFB0  }
0x103: {  	_ =	swait.ge [sflag:s24], $0x50  }
0x104: {  	[sflag:s24] =	ssyncset.done $0x0  }
0x105: {  	[sflag:s24] =	ssyncadd.s32 $0xFFFFFFB0  }
0x106: {  	[tilespmem:s26], [sflag:$0x2] =	stream.indirect.gather [hbm4b:s1+s25], $0x80, s17, s25, $0xb8;
	[tilespmem:$0x1E400] =	vst v63  }
0x107: {  	_ =	swait.ge [sflag:s31], $0x2800  }
0x108: {  	[sflag:s31] =	ssyncset.done $0x0  }
0x109: {  	[sflag:s31] =	ssyncadd.s32 $0xFFFFD800  }
0x10a: {  	[spmem:s3] =	stream.indirect.scatter.add.f32 [tilespmem:s26], [sflag:$0x3], $0x80, s16, s25, $0xb8;
	[tilespmem:$0x1E400] =	vst v63  }
0x10b: {  	_ =	swait.ge [sflag:s0], $0x2800  }
0x10c: {  	[sflag:s0] =	ssyncset.done $0x0  }
0x10d: {  	[sflag:s0] =	ssyncadd.s32 $0xFFFFD800  }
0x10e: {  	[bflag:$0x0] =	sbarrier.arrive $0xFFFF  }
0x10f: {  	s7 =	rddreg [dreg:$0xb]  }
0x110: {  	s10 =	rddreg [dreg:$0xe]  }
0x111: {  	[hbm:s10], [sflag:s7] =	dma.local [spmem:s5], $0x2800  }
0x112: {  	_ =	swait.ge [sflag:s15], $0x2800  }
0x113: {  	s2 =	sadd.s32 $0x1, s2;
	s11 =	rddreg [dreg:$0xf]  }
0x114: {  	p0 =	sne.s32 s2, s11  }
.Ltmp1:
0x115: {  	_ = 	snop;
	(pc) =	sbr.rel @p0 .LBB2_1-.Ltmp1, $3  }
0x116: {  	_ =	sdelay $0x1  }
0x117: {  	[sflag:s15] =	ssyncset.done $0x0  }
0x118: {  	[sflag:s15] =	ssyncadd.s32 $0xFFFFD800  }
0x119: {  	_ =	sfence.sel $0x180000  }
0x11a: {  	[bflag:$0x0] =	sbarrier.arrive $0xFFFF  }
0x11b: {  	_ =	strace $0x9000004D  }
0x11c: {  	s0 =	stileid.u32;
	[bflag:$0x2] =	sbarrier.arrive $0xFFFF  }
0x11d: {  	p0 =	sne.s32 s0, $0x0;
	s0 =	rddreg [dreg:$0x3]  }
0x11e: {  	s0 =	sadd.s32 @!p0 $0x100000, s0  }
0x11f: {  	[sflag:s0] =	ssyncadd.tile.s32 @!p0 $0x1;
	_ =	shalt  }
.Lfunc_end2:
_tile_overlayer_lowered:
.L_overlay_start_2:
0x120: {  	(tag) =	ssettag $0x2  }
0x121: {  	s0 =	rddreg [dreg:$0x0];
	s2 =	stileid.u32  }
0x122: {  	s1 =	rddreg [dreg:$0x1];
	p0 =	sne.s32 s2, $0x0  }
0x123: {  	s3 =	rddreg [dreg:$0x2];
	[bflag:$0x3] =	sbarrier.arrive $0xFFFF;
	s2 =	simm.s32 @!p0 $0x1C04  }
0x124: {  	[timem:s3], [sflag:s2] =	dma.local @!p0 [hbm:s0], s1  }
0x125: {  	s0 =	simm.s32 @!p0 $0x4  }
0x126: {  	_ =	swait.ge @!p0 [sflag:s0], s1  }
0x127: {  	s1 =	ssub.s32 @!p0 $0x0, s1;
	[sflag:s0] =	ssyncset.done @!p0 $0x0  }
0x128: {  	[sflag:s0] =	ssyncadd.s32 @!p0 s1  }
0x129: {  	[bflag:$0x3] =	sbarrier.arrive $0xFFFF  }
0x12a: {  	_ =	shalt  }

// kernel: kernel.7.cloned.1.call-start
scs
__scs_entry_jumppad:
0x0: {  	(pc) =	sbr.rel $0x88, $3  }
0x1: {  	(tag) =	ssettag $0x0;
	lr =	simm.s32 $0x1  }
0x2: {  	[smem:$0x3F96] =	sst lr;
	_ =	strace $0xD0000000  }
0x3: {  	_ = 	snop  }
0x4: {  	_ = 	snop  }
0x5: {  	_ = 	snop  }
0x6: {  	_ = 	snop  }
0x7: {  	_ = 	snop  }
__scs_overlays_trampoline_lowered:
0x8: {  	[smem:$0x3FA5] =	sst s0  }
0x9: {  	[smem:$0x3FA6] =	sst s1  }
0xa: {  	[smem:$0x3FA7] =	sst s2  }
0xb: {  	[smem:$0x3FA8] =	sst s3  }
0xc: {  	[smem:$0x3FA9] =	sst s4  }
0xd: {  	[smem:$0x3FAA] =	sst s5  }
0xe: {  	[smem:$0x3FAB] =	sst s6  }
0xf: {  	[smem:$0x3FAC] =	sst s7  }
0x10: {  	[smem:$0x3FAD] =	sst s8  }
0x11: {  	[smem:$0x3FAE] =	sst s9;
	s0 =	simm.s32 @!p0 $0x0  }
0x12: {  	s1 =	sld [smem:$0x3F94];
	s0 =	simm.s32 @p0 $0x1  }
0x13: {  	[smem:$0x3FAF] =	sst s0;
	s0 =	simm.s32 @!p1 $0x0  }
0x14: {  	s2 =	sld [smem:$0x3F93];
	s0 =	simm.s32 @p1 $0x1  }
0x15: {  	[smem:$0x3FB0] =	sst s0;
	s0 =	simm.s32 @!p2 $0x0  }
0x16: {  	s3 =	sld [smem:$0x3FDB];
	s0 =	simm.s32 @p2 $0x1  }
0x17: {  	s4 =	simm.s32 $0x1BF5;
	[smem:$0x3FB2] =	sst s0  }
0x18: {  	s0 =	sld [smem:$0x3F95];
	_ =	swait.ge [sflag:s4], $0x0  }
0x19: {  	s7 =	sld [smem:$0x3F96]  }
0x1a: {  	s8 =	sadd.s32 $0xFFFFE003, lr  }
0x1b: {  	s9 =	sadd.s32 $0xFFFFFEF7, lr;
	s5 =	simm.s32 $0xFFFFFFFF;
	p2 =	slt.u32 s8, $0xFFFFF086  }
0x1c: {  	p1 =	slt.u32 s9, $0xF7A;
	s5 =	simm.s32 @!p2 $0x0  }
0x1d: {  	s5 =	simm.s32 @p1 $0x1;
	p0 =	seq.s32 s7, s2  }
0x1e: {  	s7 =	smul.u32 @!p0 $0xF7A, s2;
	p2 =	seq.s32 @!p0 s5, $0x0  }
0x1f: {  	s9 =	smul.u32 $0xF7A, s1;
	s8 =	simm.s32 @!p0 $0x1BF5;
	p2 =	por !p2, p0  }
0x20: {  	[sflag:s8] =	ssyncset.s32 @!p0 $0xFFFFF086;
	s6 =	sadd.s32 @!p0 s3, s7;
	s7 =	simm.s32 @!p0 $0x108  }
0x21: {  	s3 =	sadd.s32 s3, s9;
	s6 =	sadd.s32 @!p0 $0x88, s6;
	s7 =	simm.s32 @p2 $0x1082  }
0x22: {  	[simem:s7], [sflag:s8] =	dma.local @!p0 [hbm:s6], $0xF7A  }
0x23: {  	s9 =	sor.u32 $0xD0000000, s2;
	s6 =	simm.s32 $0x108;
	_ =	swait.ge @!p0 [sflag:s8], $0x0  }
0x24: {  	s3 =	sadd.s32 $0x88, s3;
	s6 =	simm.s32 @!p1 $0x1082;
	[sflag:s4] =	ssyncset.s32 $0xFFFFF086  }
0x25: {  	[simem:s6], [sflag:s4] =	dma.local [hbm:s3], $0xF7A  }
0x26: {  	[smem:$0x3F96] =	sst s1;
	(tag) =	ssettag s2;
	_ =	strace s9  }
0x27: {  	s1 =	sld [smem:$0x3FA6]  }
0x28: {  	s2 =	sld [smem:$0x3FA7]  }
0x29: {  	s4 =	sld [smem:$0x3FA9]  }
0x2a: {  	p0 =	seq.s32 s5, $0x0;
	s5 =	sld [smem:$0x3FAA]  }
0x2b: {  	s6 =	sld [smem:$0x3FAB]  }
0x2c: {  	s7 =	sld [smem:$0x3FAC]  }
0x2d: {  	s3 =	simm.s32 $0x108;
	s8 =	sld [smem:$0x3FAD]  }
0x2e: {  	s3 =	simm.s32 @!p0 $0x1082;
	s9 =	sld [smem:$0x3FAE]  }
0x2f: {  	lr =	sadd.s32 s0, s3;
	s0 =	sld [smem:$0x3FA5]  }
0x30: {  	s3 =	sld [smem:$0x3FA8]  }
0x31: {  	[smem:$0x3FB1] =	sst s10  }
0x32: {  	s10 =	sld [smem:$0x3FAF];
	_ =	sdelay $0x3  }
0x33: {  	p0 =	seq.s32 s10, $0x1;
	s10 =	sld [smem:$0x3FB1];
	_ =	sdelay $0x3  }
0x34: {  	[smem:$0x3FB1] =	sst s10  }
0x35: {  	s10 =	sld [smem:$0x3FB0];
	_ =	sdelay $0x3  }
0x36: {  	p1 =	seq.s32 s10, $0x1;
	s10 =	sld [smem:$0x3FB1];
	_ =	sdelay $0x3  }
0x37: {  	[smem:$0x3FB1] =	sst s10  }
0x38: {  	s10 =	sld [smem:$0x3FB2]  }
0x39: {  	_ = 	snop;
	(pc) =	sbr.ind lr, $3  }
0x3a: {  	_ = 	snop  }
0x3b: {  	_ = 	snop  }
0x3c: {  	p2 =	seq.s32 s10, $0x1;
	s10 =	sld [smem:$0x3FB1]  }
0x3d: {  	_ =	shalt  }
0x3e: {  	_ =	shalt  }
0x3f: {  	_ =	shalt  }
0x40: {  	_ =	shalt  }
0x41: {  	_ =	shalt  }
0x42: {  	_ =	shalt  }
0x43: {  	_ =	shalt  }
0x44: {  	_ =	shalt  }
0x45: {  	_ =	shalt  }
0x46: {  	_ =	shalt  }
0x47: {  	_ =	shalt  }
0x48: {  	_ =	shalt  }
0x49: {  	_ =	shalt  }
0x4a: {  	_ =	shalt  }
0x4b: {  	_ =	shalt  }
0x4c: {  	_ =	shalt  }
0x4d: {  	_ =	shalt  }
0x4e: {  	_ =	shalt  }
0x4f: {  	_ =	shalt  }
0x50: {  	_ =	shalt  }
0x51: {  	_ =	shalt  }
0x52: {  	_ =	shalt  }
0x53: {  	_ =	shalt  }
0x54: {  	_ =	shalt  }
0x55: {  	_ =	shalt  }
0x56: {  	_ =	shalt  }
0x57: {  	_ =	shalt  }
0x58: {  	_ =	shalt  }
0x59: {  	_ =	shalt  }
0x5a: {  	_ =	shalt  }
0x5b: {  	_ =	shalt  }
0x5c: {  	_ =	shalt  }
0x5d: {  	_ =	shalt  }
0x5e: {  	_ =	shalt  }
0x5f: {  	_ =	shalt  }
0x60: {  	_ =	shalt  }
0x61: {  	_ =	shalt  }
0x62: {  	_ =	shalt  }
0x63: {  	_ =	shalt  }
0x64: {  	_ =	shalt  }
0x65: {  	_ =	shalt  }
0x66: {  	_ =	shalt  }
0x67: {  	_ =	shalt  }
0x68: {  	_ =	shalt  }
0x69: {  	_ =	shalt  }
0x6a: {  	_ =	shalt  }
0x6b: {  	_ =	shalt  }
0x6c: {  	_ =	shalt  }
0x6d: {  	_ =	shalt  }
0x6e: {  	_ =	shalt  }
0x6f: {  	_ =	shalt  }
0x70: {  	_ =	shalt  }
0x71: {  	_ =	shalt  }
0x72: {  	_ =	shalt  }
0x73: {  	_ =	shalt  }
0x74: {  	_ =	shalt  }
0x75: {  	_ =	shalt  }
0x76: {  	_ =	shalt  }
0x77: {  	_ =	shalt  }
0x78: {  	_ =	shalt  }
0x79: {  	_ =	shalt  }
0x7a: {  	_ =	shalt  }
0x7b: {  	_ =	shalt  }
0x7c: {  	_ =	shalt  }
0x7d: {  	_ =	shalt  }
0x7e: {  	_ =	shalt  }
0x7f: {  	_ =	shalt  }
0x80: {  	_ =	shalt  }
0x81: {  	_ =	shalt  }
0x82: {  	_ =	shalt  }
0x83: {  	_ =	shalt  }
0x84: {  	_ =	shalt  }
0x85: {  	_ =	shalt  }
0x86: {  	_ =	shalt  }
0x87: {  	_ =	shalt  }
.Lfunc_end0:
.L_simem_size_0:
called_computation_lowered:
.L_overlay_start_0:
0x88: {  	s2 =	sld [smem:$0x3FD9]  }
0x89: {  	s3 =	sld [smem:$0x3FFE];
	_ =	sdelay $0x1  }
0x8a: {  	s1 =	srdreg.scid  }
0x8b: {  	s0 =	sand.u32 $0x1, s1  }
0x8c: {  	s17 =	sshll.u32 s0, $0xA;
	s2 =	sadd.s32 s3, s2  }
0x8d: {  	s2 =	sadd.s32 s2, s17  }
0x8e: {  	[smem:$0x3FBD] =	sst s2  }
0x8f: {  	_ = 	snop  }
0x90: {  	(tm) =	ssettm $0x1  }
0x91: {  	s18 =	sld [smem:$0x3FFB];
	_ =	sdelay $0x3  }
0x92: {  	_ =	strace s18  }
0x93: {  	s2 =	sld [smem:$0x3FFC];
	_ =	sdelay $0x3  }
0x94: {  	_ =	strace s2  }
0x95: {  	s2 =	sld [smem:$0x3FFD];
	_ =	sdelay $0x3  }
0x96: {  	_ =	strace s2  }
0x97: {  	_ =	strace $0x8FFFFFFF  }
0x98: {  	s19 =	sld [smem:$0x3FDB];
	_ =	sdelay $0x1  }
0x99: {  	s20 =	simm.s32 $_scs_section_size  }
0x9a: {  	s4 =	simm.s32 $_size__tile_overlayer_lowered;
	s5 =	simm.s32 $_tile_overlayer_lowered  }
0x9b: {  	s6 =	simm.s32 $0x1BFF;
	s21 =	sshll.u32 s5, $0x1;
	s3 =	sadd.s32 s20, s19  }
0x9c: {  	s22 =	simm.s32 $0x0;
	s4 =	sshll.u32 s4, $0x1;
	s5 =	sadd.s32 s21, s3  }
0x9d: {  	[timem:s22], [sflag:s6] =	dma.local [hbm:s5], s4  }
0x9e: {  	_ =	swait.ge [sflag:s6], s4  }
0x9f: {  	s4 =	ssub.s32 $0x0, s4;
	[sflag:s6] =	ssyncset.done $0x0  }
0xa0: {  	[sflag:s6] =	ssyncadd.s32 s4;
	_ =	sdelay $0x1  }
0xa1: {  	s23 =	simm.s32 $0x1B8B  }
0xa2: {  	_ =	swait.ge [sflag:s23], $0x1  }
0xa3: {  	[sflag:s23] =	ssyncset.done $0x0  }
0xa4: {  	[sflag:s23] =	ssyncadd.s32 $0xFFFFFFFF  }
0xa5: {  	s4 =	sld [smem:$0x0]  }
0xa6: {  	s5 =	sand.u32 $0xFFFFFFFE, s1  }
0xa7: {  	p0 =	sne.s32 s1, s5  }
0xa8: {  	s5 =	sshll.u32 @p0 s5, $0xE  }
0xa9: {  	s5 =	sadd.s32 @p0 $0x11B8D, s5;
	s6 =	sshll.u32 @p0 s4, $0x11  }
0xaa: {  	s5 =	sor.u32 @p0 s6, s5  }
0xab: {  	[sflag:s5] =	ssyncadd.remote.s32 @p0 $0x1;
	_ =	sdelay $0x1  }
0xac: {  	s5 =	simm.s32 @p0 $0x1B8D  }
0xad: {  	_ =	swait.eq @p0 [sflag:s5], $0x1  }
0xae: {  	[sflag:s5] =	ssyncadd.s32 @p0 $0xFFFFFFFF  }
0xaf: {  	s6 =	sshll.u32 @!p0 s1, $0xE  }
0xb0: {  	s6 =	sor.u32 @!p0 $0x4000, s6;
	s5 =	simm.s32 @!p0 $0x1B8D  }
0xb1: {  	s4 =	sshll.u32 @!p0 s4, $0x11;
	s6 =	sadd.s32 @!p0 $0x11B8D, s6;
	_ =	swait.eq @!p0 [sflag:s5], $0x1  }
0xb2: {  	s4 =	sor.u32 @!p0 s4, s6;
	[sflag:s5] =	ssyncadd.s32 @!p0 $0xFFFFFFFF  }
0xb3: {  	s25 =	simm.s32 $0x1B8E;
	s24 =	sld [smem:$0x3FFE];
	[sflag:s4] =	ssyncadd.remote.s32 @!p0 $0x1  }
0xb4: {  	s26 =	simm.s32 $execute0_lowered;
	[smem:$0x3FD2] =	sst s25  }
0xb5: {  	s5 =	sshll.u32 s26, $0x1;
	_ =	strace $0x80000049;
	[dreg:$0x1] =	wrdreg $0xFFFFFFFF  }
0xb6: {  	s28 =	simm.s32 $_size_execute0_lowered;
	s3 =	sadd.s32 s3, s5;
	[dreg:$0x0] =	wrdreg $0x0  }
0xb7: {  	s5 =	sshll.u32 s28, $0x1;
	[dreg:$0x2] =	wrdreg s3  }
0xb8: {  	[dreg:$0x3] =	wrdreg s5  }
0xb9: {  	[dreg:$0x4] =	wrdreg $0xC0  }
0xba: {  	_ =	task [dreg:s22], $0x5FFFF  }
0xbb: {  	[dreg:$0x1] =	wrdreg $0xFFFFFFFF  }
0xbc: {  	[dreg:$0x0] =	wrdreg $0x60  }
0xbd: {  	[dreg:$0x2] =	wrdreg s24  }
0xbe: {  	[dreg:$0x3] =	wrdreg $0x0  }
0xbf: {  	[dreg:$0x4] =	wrdreg $0x9  }
0xc0: {  	_ =	task.clear_ibuf [dreg:s22], $0x5FFFF;
	_ =	strace $0x90000049  }
0xc1: {  	s29 =	simm.s32 $0x9;
	_ =	strace $0x8000004B  }
0xc2: {  	_ =	swait.ge [sflag:s29], $0x1  }
0xc3: {  	[sflag:s29] =	ssyncadd.s32 $0xFFFFFFFF  }
0xc4: {  	_ =	strace $0x9000004B  }
0xc5: {  	_ =	sfence  }
0xc6: {  	s30 =	sld [smem:$0x0];
	_ =	sdelay $0x2  }
0xc7: {  	s31 =	sshll.u32 s1, $0xD;
	s1 =	sshrl.u32 s1, $0x2  }
0xc8: {  	s4 =	sand.u32 $0x4000, s31;
	s1 =	sadd.s32 s1, s30  }
0xc9: {  	s0 =	sor.u32 s4, s0;
	s1 =	sshll.u32 s1, $0x11  }
0xca: {  	s0 =	sor.u32 s1, s0  }
0xcb: {  	s0 =	sadd.s32 $0x8F2B, s0  }
0xcc: {  	[sflag:s0] =	ssyncadd.remote.s32 $0x1  }
0xcd: {  	_ =	sfence.sel $0xFFFF  }
0xce: {  	[dreg:$0x0] =	wrdreg $0xFFFFFFFF;
	(pc) =	sbr.abs _section_cstart, $3  }
0xcf: {  	[dreg:$0x1] =	wrdreg $0xFFFFFFFF  }
0xd0: {  	_ =	task.clear_ibuf [dreg:s22], $0x2FFFF;
	_ =	strace $0x9FFFFFFF  }
0xd1: {  	(tm) =	ssettm $0x7FFFFFFF  }
tec
execute0_lowered:
.L_overlay_start_1:
0x0: {  	(tag) =	ssettag $0x1  }
0x1: {  	s0 =	rddreg [dreg:$0x0]  }
0x2: {  	s2 =	rddreg [dreg:$0x1]  }
0x3: {  	s13 =	stileid.u32;
	s1 =	srdreg.scid  }
0x4: {  	s3 =	simm.s32 $0x0;
	s28 =	simm.s32 $0x50;
	s4 =	smul.u32 $0x14000, s13  }
0x5: {  	s29 =	simm.s32 $0x3;
	s30 =	simm.s32 $0x0;
	s14 =	smul.u32 $0x50000, s13  }
0x6: {  	s1 =	sand.u32 $0x1, s1;
	[smem:$0x7FF] =	sst s3;
	s19 =	smul.u32 $0x4E20, s13  }
0x7: {  	s6 =	sadd.s32 $0x570E00, s0;
	s11 =	sadd.s32 $0x3200, s0;
	s21 =	smul.u32 $0x4E200, s13  }
0x8: {  	s8 =	sshll.u32 s13, $0x1;
	s17 =	sshll.u32 s13, $0x6;
	s5 =	smul.u32 $0x140000, s1  }
0x9: {  	_ =	strace $0x8000004A;
	s15 =	ssub.s32 $0x2, s1;
	s10 =	smul.u32 $0x2710, s1  }
0xa: {  	s8 =	sor.u32 s1, s8;
	s1 =	smul.u32 $0x27100, s1;
	s7 =	sshrl.u32 s4, $0x3  }
0xb: {  	s9 =	sshrl.u32 s15, $0x1;
	s8 =	smul.u32 $0x2710, s8;
	s23 =	sadd.s32 s21, s6  }
0xc: {  	s21 =	simm.s32 $0x14100;
	s7 =	sadd.s32 s7, s0;
	s4 =	sadd.s32 s4, s5  }
0xd: {  	s5 =	sshrl.u32 s14, $0x2;
	s22 =	sadd.s32 s10, s19;
	s10 =	sadd.s32 s1, s23  }
0xe: {  	s19 =	simm.s32 $0x14080;
	s23 =	simm.s32 $0x14180;
	s4 =	sshrl.u32 s4, $0x3  }
0xf: {  	s12 =	sadd.s32 s5, s2;
	s16 =	sadd.s32 $0x16E00, s7;
	s18 =	sadd.s32 $0x26C0, s8  }
0x10: {  	s5 =	sor.u32 $0x1C04, s17;
	s24 =	sshrl.u32 s22, $0x3;
	s25 =	sadd.s32 $0xF0, s22  }
0x11: {  	s26 =	sadd.s32 $0xA0, s22;
	s31 =	sadd.s32 $0x50, s22;
	s17 =	simm.s32 $0x14000  }
0x12: {  	s22 =	simm.s32 $0x19200;
	s0 =	sadd.s32 s4, s0;
	s4 =	ssub.s32 s15, s9  }
0x13: {  	[dreg:$0x3] =	wrdreg s16;
	s20 =	sshrl.u32 s18, $0x3;
	s7 =	sshll.u32 s18, $0x4  }
0x14: {  	s1 =	sshrl.u32 s26, $0x3;
	s14 =	sshrl.u32 s31, $0x3;
	s15 =	sshrl.u32 s12, $0x3  }
0x15: {  	s16 =	simm.s32 $0x4;
	s18 =	simm.s32 $0x14200;
	s9 =	sadd.s32 s11, s20  }
0x16: {  	s26 =	simm.s32 $0x2;
	s7 =	sadd.s32 s6, s7;
	[dreg:$0x4] =	wrdreg s9  }
0x17: {  	s0 =	sadd.s32 $0x8EE00, s0;
	s13 =	sadd.s32 s1, s11;
	[dreg:$0x5] =	wrdreg s7  }
0x18: {  	s14 =	sadd.s32 s14, s11;
	s20 =	simm.s32 $0x16A00;
	[dreg:$0x6] =	wrdreg s0  }
0x19: {  	s9 =	smax.u32 s4, $0x1;
	s4 =	sadd.s32 s24, s11;
	s0 =	sshrl.u32 s25, $0x3  }
0x1a: {  	s24 =	simm.s32 $0x1BA00;
	s25 =	simm.s32 $0x1;
	s6 =	sadd.s32 s0, s11  }
.LBB2_1:
0x1b: {  	s0 =	rddreg [dreg:$0x3]  }
0x1c: {  	[spmem:s15], [sflag:s5] =	dma.local [hbm:s0], $0x2800  }
0x1d: {  	_ =	swait.ge [sflag:s16], $0x2800  }
0x1e: {  	[sflag:s16] =	ssyncset.done $0x0  }
0x1f: {  	[sflag:s16] =	ssyncadd.s32 $0xFFFFD800  }
0x20: {  	[bflag:$0x0] =	sbarrier.arrive $0xFFFF  }
0x21: {  	[tilespmem:s17], [sflag:$0x1] =	stream.linear.gather [hbm4b:s4+s3], $0x50, $0x38;
	[tilespmem:$0x1E200] =	vst v63  }
0x22: {  	s11 =	sadd.s32 $0x0, s10  }
0x23: {  	[tilespmem:s18], [sflag:$0x2] =	stream.linear.gather [hbm4b:s11+s3], $0x2800, $0x38;
	[tilespmem:$0x1E200] =	vst v63  }
0x24: {  	_ = 	snop  }
0x25: {  	[tilespmem:s19], [sflag:$0x1] =	stream.linear.gather [hbm4b:s14+s3], $0x50, $0x38;
	[tilespmem:$0x1E200] =	vst v63  }
0x26: {  	s1 =	sadd.s32 $0x500, s11  }
0x27: {  	[tilespmem:s20], [sflag:$0x2] =	stream.linear.gather [hbm4b:s1+s3], $0x2800, $0x38;
	[tilespmem:$0x1E200] =	vst v63  }
0x28: {  	_ = 	snop  }
0x29: {  	[tilespmem:s21], [sflag:$0x1] =	stream.linear.gather [hbm4b:s13+s3], $0x50, $0x38;
	[tilespmem:$0x1E200] =	vst v63  }
0x2a: {  	s12 =	sadd.s32 $0xA00, s11  }
0x2b: {  	[tilespmem:s22], [sflag:$0x2] =	stream.linear.gather [hbm4b:s12+s3], $0x2800, $0x38;
	[tilespmem:$0x1E200] =	vst v63  }
0x2c: {  	_ = 	snop  }
0x2d: {  	[tilespmem:s23], [sflag:$0x1] =	stream.linear.gather [hbm4b:s6+s3], $0x50, $0x38;
	[tilespmem:$0x1E200] =	vst v63  }
0x2e: {  	s0 =	sadd.s32 $0xF00, s11  }
0x2f: {  	[tilespmem:s24], [sflag:$0x2] =	stream.linear.gather [hbm4b:s0+s3], $0x2800, $0x38;
	[tilespmem:$0x1E200] =	vst v63  }
0x30: {  	_ =	swait.ge [sflag:s25], $0x50  }
0x31: {  	[sflag:s25] =	ssyncset.done $0x0  }
0x32: {  	[sflag:s25] =	ssyncadd.s32 $0xFFFFFFB0  }
0x33: {  	_ =	swait.ge [sflag:s26], $0x2800  }
0x34: {  	[sflag:s26] =	ssyncset.done $0x0  }
0x35: {  	[sflag:s26] =	ssyncadd.s32 $0xFFFFD800  }
0x36: {  	[spmem:s2] =	stream.indirect.scatter.add.f32 [tilespmem:s18], [sflag:$0x3], $0x80, s17, s28, $0xb8;
	[tilespmem:$0x1E200] =	vst v63  }
0x37: {  	_ =	swait.ge [sflag:s25], $0x50  }
0x38: {  	[sflag:s25] =	ssyncset.done $0x0  }
0x39: {  	[sflag:s25] =	ssyncadd.s32 $0xFFFFFFB0  }
0x3a: {  	_ =	swait.ge [sflag:s26], $0x2800  }
0x3b: {  	[sflag:s26] =	ssyncset.done $0x0  }
0x3c: {  	[sflag:s26] =	ssyncadd.s32 $0xFFFFD800  }
0x3d: {  	[spmem:s2] =	stream.indirect.scatter.add.f32 [tilespmem:s20], [sflag:$0x3], $0x80, s19, s28, $0xb8;
	[tilespmem:$0x1E200] =	vst v63  }
0x3e: {  	_ =	swait.ge [sflag:s25], $0x50  }
0x3f: {  	[sflag:s25] =	ssyncset.done $0x0  }
0x40: {  	[sflag:s25] =	ssyncadd.s32 $0xFFFFFFB0  }
0x41: {  	_ =	swait.ge [sflag:s26], $0x2800  }
0x42: {  	[sflag:s26] =	ssyncset.done $0x0  }
0x43: {  	[sflag:s26] =	ssyncadd.s32 $0xFFFFD800  }
0x44: {  	[spmem:s2] =	stream.indirect.scatter.add.f32 [tilespmem:s22], [sflag:$0x3], $0x80, s21, s28, $0xb8;
	[tilespmem:$0x1E200] =	vst v63  }
0x45: {  	_ =	swait.ge [sflag:s25], $0x50  }
0x46: {  	[sflag:s25] =	ssyncset.done $0x0  }
0x47: {  	[sflag:s25] =	ssyncadd.s32 $0xFFFFFFB0  }
0x48: {  	_ =	swait.ge [sflag:s26], $0x2800  }
0x49: {  	[sflag:s26] =	ssyncset.done $0x0  }
0x4a: {  	[sflag:s26] =	ssyncadd.s32 $0xFFFFD800  }
0x4b: {  	[spmem:s2] =	stream.indirect.scatter.add.f32 [tilespmem:s24], [sflag:$0x3], $0x80, s23, s28, $0xb8;
	[tilespmem:$0x1E200] =	vst v63  }
0x4c: {  	_ =	swait.ge [sflag:s29], $0x2800  }
0x4d: {  	[sflag:s29] =	ssyncset.done $0x0  }
0x4e: {  	[sflag:s29] =	ssyncadd.s32 $0xFFFFD800  }
0x4f: {  	_ =	swait.ge [sflag:s29], $0x2800  }
0x50: {  	[sflag:s29] =	ssyncset.done $0x0  }
0x51: {  	[sflag:s29] =	ssyncadd.s32 $0xFFFFD800  }
0x52: {  	_ =	swait.ge [sflag:s29], $0x2800  }
0x53: {  	[sflag:s29] =	ssyncset.done $0x0  }
0x54: {  	s31 =	simm.s32 $0x1400;
	[sflag:s29] =	ssyncadd.s32 $0xFFFFD800  }
0x55: {  	s11 =	smov.u32 s4;
	s1 =	sadd.s32 $0x28, s14;
	_ =	swait.ge [sflag:s29], $0x2800  }
0x56: {  	s12 =	smov.u32 s6;
	s0 =	sadd.s32 $0x28, s13;
	[sflag:s29] =	ssyncset.done $0x0  }
.LBB2_2:
0x57: {  	[sflag:s29] =	ssyncadd.s32 $0xFFFFD800;
	s11 =	sadd.s32 $0x28, s11;
	s12 =	sadd.s32 $0x28, s12  }
0x58: {  	[tilespmem:s17], [sflag:$0x1] =	stream.linear.gather [hbm4b:s11+s3], $0x50, $0x38;
	[tilespmem:$0x1E200] =	vst v63  }
0x59: {  	s7 =	sadd.s32 s31, s10;
	p0 =	sne.s32 s31, $0x25800;
	s31 =	sadd.s32 $0x1400, s31  }
0x5a: {  	[tilespmem:s18], [sflag:$0x2] =	stream.linear.gather [hbm4b:s7+s3], $0x2800, $0x38;
	[tilespmem:$0x1E200] =	vst v63  }
0x5b: {  	_ = 	snop  }
0x5c: {  	[tilespmem:s19], [sflag:$0x1] =	stream.linear.gather [hbm4b:s1+s3], $0x50, $0x38;
	[tilespmem:$0x1E200] =	vst v63  }
0x5d: {  	s8 =	sadd.s32 $0x500, s7  }
0x5e: {  	[tilespmem:s20], [sflag:$0x2] =	stream.linear.gather [hbm4b:s8+s3], $0x2800, $0x38;
	[tilespmem:$0x1E200] =	vst v63  }
0x5f: {  	_ = 	snop  }
0x60: {  	[tilespmem:s21], [sflag:$0x1] =	stream.linear.gather [hbm4b:s0+s3], $0x50, $0x38;
	[tilespmem:$0x1E200] =	vst v63  }
0x61: {  	s8 =	sadd.s32 $0xA00, s7  }
0x62: {  	[tilespmem:s22], [sflag:$0x2] =	stream.linear.gather [hbm4b:s8+s3], $0x2800, $0x38;
	[tilespmem:$0x1E200] =	vst v63  }
0x63: {  	_ = 	snop  }
0x64: {  	[tilespmem:s23], [sflag:$0x1] =	stream.linear.gather [hbm4b:s12+s3], $0x50, $0x38;
	[tilespmem:$0x1E200] =	vst v63  }
0x65: {  	s7 =	sadd.s32 $0xF00, s7  }
0x66: {  	[tilespmem:s24], [sflag:$0x2] =	stream.linear.gather [hbm4b:s7+s3], $0x2800, $0x38;
	[tilespmem:$0x1E200] =	vst v63  }
0x67: {  	_ =	swait.ge [sflag:s25], $0x50  }
0x68: {  	[sflag:s25] =	ssyncset.done $0x0  }
0x69: {  	[sflag:s25] =	ssyncadd.s32 $0xFFFFFFB0  }
0x6a: {  	_ =	swait.ge [sflag:s26], $0x2800  }
0x6b: {  	[sflag:s26] =	ssyncset.done $0x0  }
0x6c: {  	[sflag:s26] =	ssyncadd.s32 $0xFFFFD800  }
0x6d: {  	[spmem:s2] =	stream.indirect.scatter.add.f32 [tilespmem:s18], [sflag:$0x3], $0x80, s17, s28, $0xb8;
	[tilespmem:$0x1E200] =	vst v63  }
0x6e: {  	_ =	swait.ge [sflag:s25], $0x50  }
0x6f: {  	[sflag:s25] =	ssyncset.done $0x0  }
0x70: {  	[sflag:s25] =	ssyncadd.s32 $0xFFFFFFB0  }
0x71: {  	_ =	swait.ge [sflag:s26], $0x2800  }
0x72: {  	[sflag:s26] =	ssyncset.done $0x0  }
0x73: {  	[sflag:s26] =	ssyncadd.s32 $0xFFFFD800  }
0x74: {  	[spmem:s2] =	stream.indirect.scatter.add.f32 [tilespmem:s20], [sflag:$0x3], $0x80, s19, s28, $0xb8;
	[tilespmem:$0x1E200] =	vst v63  }
0x75: {  	_ =	swait.ge [sflag:s25], $0x50  }
0x76: {  	[sflag:s25] =	ssyncset.done $0x0  }
0x77: {  	[sflag:s25] =	ssyncadd.s32 $0xFFFFFFB0  }
0x78: {  	_ =	swait.ge [sflag:s26], $0x2800  }
0x79: {  	[sflag:s26] =	ssyncset.done $0x0  }
0x7a: {  	[sflag:s26] =	ssyncadd.s32 $0xFFFFD800  }
0x7b: {  	[spmem:s2] =	stream.indirect.scatter.add.f32 [tilespmem:s22], [sflag:$0x3], $0x80, s21, s28, $0xb8;
	[tilespmem:$0x1E200] =	vst v63  }
0x7c: {  	_ =	swait.ge [sflag:s25], $0x50  }
0x7d: {  	[sflag:s25] =	ssyncset.done $0x0  }
0x7e: {  	[sflag:s25] =	ssyncadd.s32 $0xFFFFFFB0  }
0x7f: {  	_ =	swait.ge [sflag:s26], $0x2800  }
0x80: {  	[sflag:s26] =	ssyncset.done $0x0  }
0x81: {  	[sflag:s26] =	ssyncadd.s32 $0xFFFFD800  }
0x82: {  	[spmem:s2] =	stream.indirect.scatter.add.f32 [tilespmem:s24], [sflag:$0x3], $0x80, s23, s28, $0xb8;
	[tilespmem:$0x1E200] =	vst v63  }
0x83: {  	_ =	swait.ge [sflag:s29], $0x2800  }
0x84: {  	[sflag:s29] =	ssyncset.done $0x0  }
0x85: {  	[sflag:s29] =	ssyncadd.s32 $0xFFFFD800  }
0x86: {  	_ =	swait.ge [sflag:s29], $0x2800  }
0x87: {  	[sflag:s29] =	ssyncset.done $0x0  }
0x88: {  	[sflag:s29] =	ssyncadd.s32 $0xFFFFD800  }
.Ltmp0:
0x89: {  	_ =	swait.ge [sflag:s29], $0x2800;
	(pc) =	sbr.rel @p0 .LBB2_2-.Ltmp0, $4  }
0x8a: {  	[sflag:s29] =	ssyncset.done $0x0  }
0x8b: {  	[sflag:s29] =	ssyncadd.s32 $0xFFFFD800  }
0x8c: {  	_ =	swait.ge [sflag:s29], $0x2800  }
0x8d: {  	s1 =	sadd.s32 $0x28, s1;
	s0 =	sadd.s32 $0x28, s0;
	[sflag:s29] =	ssyncset.done $0x0  }
0x8e: {  	[sflag:s29] =	ssyncadd.s32 $0xFFFFD800;
	s0 =	rddreg [dreg:$0x4]  }
0x8f: {  	[tilespmem:s17], [sflag:$0x1] =	stream.linear.gather [hbm4b:s0+s3], $0x50, $0x38;
	[tilespmem:$0x1E200] =	vst v63  }
0x90: {  	s12 =	rddreg [dreg:$0x5]  }
0x91: {  	[tilespmem:s18], [sflag:$0x2] =	stream.linear.gather [hbm4b:s12+s3], $0x2800, $0x38;
	[tilespmem:$0x1E200] =	vst v63  }
0x92: {  	_ =	swait.ge [sflag:s25], $0x50  }
0x93: {  	[sflag:s25] =	ssyncset.done $0x0  }
0x94: {  	[sflag:s25] =	ssyncadd.s32 $0xFFFFFFB0  }
0x95: {  	_ =	swait.ge [sflag:s26], $0x2800  }
0x96: {  	[sflag:s26] =	ssyncset.done $0x0  }
0x97: {  	[sflag:s26] =	ssyncadd.s32 $0xFFFFD800  }
0x98: {  	[spmem:s2] =	stream.indirect.scatter.add.f32 [tilespmem:s18], [sflag:$0x3], $0x80, s17, s28, $0xb8;
	[tilespmem:$0x1E200] =	vst v63  }
0x99: {  	_ =	swait.ge [sflag:s29], $0x2800  }
0x9a: {  	[sflag:s29] =	ssyncset.done $0x0  }
0x9b: {  	s30 =	sadd.s32 $0x1, s30;
	[sflag:s29] =	ssyncadd.s32 $0xFFFFD800  }
0x9c: {  	p0 =	sne.s32 s30, s9;
	[bflag:$0x0] =	sbarrier.arrive $0xFFFF  }
.Ltmp1:
0x9d: {  	s31 =	rddreg [dreg:$0x6];
	(pc) =	sbr.rel @p0 .LBB2_1-.Ltmp1, $4  }
0x9e: {  	[hbm:s31], [sflag:s5] =	dma.local [spmem:s15], $0x2800  }
0x9f: {  	_ =	swait.ge [sflag:s16], $0x2800  }
0xa0: {  	[sflag:s16] =	ssyncset.done $0x0  }
0xa1: {  	[sflag:s16] =	ssyncadd.s32 $0xFFFFD800  }
0xa2: {  	_ =	sfence.sel $0x180000  }
0xa3: {  	[bflag:$0x0] =	sbarrier.arrive $0xFFFF  }
0xa4: {  	_ =	strace $0x9000004A  }
0xa5: {  	s0 =	stileid.u32;
	[bflag:$0x2] =	sbarrier.arrive $0xFFFF  }
0xa6: {  	p0 =	sne.s32 s0, $0x0;
	s0 =	rddreg [dreg:$0x2]  }
0xa7: {  	s0 =	sadd.s32 @!p0 $0x100000, s0  }
0xa8: {  	[sflag:s0] =	ssyncadd.tile.s32 @!p0 $0x1;
	_ =	shalt  }
.Lfunc_end2:
_tile_overlayer_lowered:
.L_overlay_start_2:
0xa9: {  	(tag) =	ssettag $0x2  }
0xaa: {  	s0 =	rddreg [dreg:$0x0];
	s2 =	stileid.u32  }
0xab: {  	s1 =	rddreg [dreg:$0x1];
	p0 =	sne.s32 s2, $0x0  }
0xac: {  	s3 =	rddreg [dreg:$0x2];
	[bflag:$0x3] =	sbarrier.arrive $0xFFFF;
	s2 =	simm.s32 @!p0 $0x1C04  }
0xad: {  	[timem:s3], [sflag:s2] =	dma.local @!p0 [hbm:s0], s1  }
0xae: {  	s0 =	simm.s32 @!p0 $0x4  }
0xaf: {  	_ =	swait.ge @!p0 [sflag:s0], s1  }
0xb0: {  	s1 =	ssub.s32 @!p0 $0x0, s1;
	[sflag:s0] =	ssyncset.done @!p0 $0x0  }
0xb1: {  	[sflag:s0] =	ssyncadd.s32 @!p0 s1  }
0xb2: {  	[bflag:$0x3] =	sbarrier.arrive $0xFFFF  }
0xb3: {  	_ =	shalt  }

</sc_bundles>
